<compile_context>
chip_gen: v7x
topology: tpu7x:2x2x1
jax: 0.10.2.dev20260603
libtpu: 0.0.44.dev20260713+nightly
codegen_flags: <defaults>
</compile_context>

<pallas_src>
import functools

import jax
import jax.numpy as jnp
from jax import lax
from jax.experimental import pallas as pl
from jax.experimental.pallas import tpu as pltpu
from jax.experimental.pallas import tpu_sc as plsc

N = 10000
E = 320000
D = 128
NC = 2
NS = 16
NW = NC * NS
EPAD = 327680
EPW = EPAD // NW
CH = 128
NCHUNK = EPW // CH
PADROW = N
NACC = 10112
STRIPE = NACC // NS
NDEG = 10240


def _make_sc_agg(with_deg):
    mesh = plsc.VectorSubcoreMesh(
        core_axis_name="c", subcore_axis_name="s", num_cores=NC, num_subcores=NS
    )

    scratch = [
        pltpu.VMEM((CH,), jnp.int32),
        pltpu.VMEM((CH,), jnp.int32),
        pltpu.VMEM((CH,), jnp.int32),
        pltpu.VMEM((CH,), jnp.int32),
        pltpu.VMEM((CH, D), jnp.float32),
        pltpu.VMEM((CH, D), jnp.float32),
        pltpu.VMEM_SHARED((NACC, D), jnp.float32),
        pltpu.SemaphoreType.DMA,
        pltpu.SemaphoreType.DMA,
        pltpu.SemaphoreType.DMA,
        pltpu.SemaphoreType.DMA,
        pltpu.SemaphoreType.DMA,
        pltpu.SemaphoreType.DMA,
    ]
    if with_deg:
        scratch.append(pltpu.VMEM((NDEG,), jnp.float32))

    if with_deg:
        out_type = [
            jax.ShapeDtypeStruct((NC, NACC, D), jnp.float32),
            jax.ShapeDtypeStruct((NW, NDEG), jnp.float32),
        ]
    else:
        out_type = jax.ShapeDtypeStruct((NC, NACC, D), jnp.float32)

    @functools.partial(
        pl.kernel,
        out_type=out_type,
        mesh=mesh,
        scratch_types=scratch,
        compiler_params=pltpu.CompilerParams(needs_layout_passes=False),
    )
    def sc_kernel(h_hbm, src_hbm, dst_hbm, zero_hbm, *refs):
        if with_deg:
            (zflat_hbm, out_hbm, deg_hbm, s0, s1, d0, d1, r0, r1,
             acc_sh, g0, g1, ss0, ss1, ds0, ds1, deg_l) = refs
        else:
            (out_hbm, s0, s1, d0, d1, r0, r1,
             acc_sh, g0, g1, ss0, ss1, ds0, ds1) = refs
        srcv = (s0, s1)
        dstv = (d0, d1)
        rows = (r0, r1)
        semg = (g0, g1)
        semis = (ss0, ss1)
        semid = (ds0, ds1)
        c = lax.axis_index("c")
        s = lax.axis_index("s")
        wid = s * NC + c
        ebase = wid * EPW

        pltpu.sync_copy(zero_hbm.at[pl.ds(s * STRIPE, STRIPE)],
                        acc_sh.at[pl.ds(s * STRIPE, STRIPE)])
        if with_deg:
            pltpu.sync_copy(zflat_hbm, deg_l)
            ones = jnp.full((16,), 1.0, jnp.float32)

        plsc.subcore_barrier()

        for b in range(2):
            pltpu.sync_copy(src_hbm.at[pl.ds(ebase + b * CH, CH)], srcv[b])
            pltpu.sync_copy(dst_hbm.at[pl.ds(ebase + b * CH, CH)], dstv[b])
            pltpu.async_copy(h_hbm.at[srcv[b]], rows[b], semg[b])

        def body(g, carry):
            for b in range(2):
                i = 2 * g + b
                pltpu.make_async_copy(h_hbm.at[srcv[b]], rows[b],
                                      semg[b]).wait()

                @pl.when(i + 2 < NCHUNK)
                def _pf_src(i=i, b=b):
                    pltpu.async_copy(
                        src_hbm.at[pl.ds(ebase + (i + 2) * CH, CH)],
                        srcv[b], semis[b])

                @pl.when(i >= 2)
                def _dst_done(i=i, b=b):
                    pltpu.make_async_copy(
                        dst_hbm.at[pl.ds(ebase + i * CH, CH)],
                        dstv[b], semid[b]).wait()

                if with_deg:
                    for j in range(CH // 16):
                        d16 = dstv[b][pl.ds(j * 16, 16)]
                        plsc.addupdate_scatter(deg_l, [d16], ones)

                pltpu.sync_copy(rows[b], acc_sh.at[dstv[b]], add=True)

                @pl.when(i + 2 < NCHUNK)
                def _refill(i=i, b=b):
                    pltpu.async_copy(
                        dst_hbm.at[pl.ds(ebase + (i + 2) * CH, CH)],
                        dstv[b], semid[b])
                    pltpu.make_async_copy(
                        src_hbm.at[pl.ds(ebase + (i + 2) * CH, CH)],
                        srcv[b], semis[b]).wait()
                    pltpu.async_copy(h_hbm.at[srcv[b]], rows[b], semg[b])
            return carry

        lax.fori_loop(0, NCHUNK // 2, body, 0)

        if with_deg:
            pltpu.sync_copy(deg_l, deg_hbm.at[wid])

        plsc.subcore_barrier()

        pltpu.sync_copy(acc_sh.at[pl.ds(s * STRIPE, STRIPE)],
                        out_hbm.at[c, pl.ds(s * STRIPE, STRIPE)])

    return sc_kernel


_sc_agg_deg = _make_sc_agg(True)
_sc_agg = _make_sc_agg(False)


ROWS_BLK = 1000


def _tc1_body(x_ref, a0_ref, a1_ref, deg_ref, w_ref, b_ref, h_ref):
    agg = a0_ref[0] + a1_ref[0]
    deg = jnp.maximum(deg_ref[...], 1.0)
    h = jnp.dot(x_ref[...], w_ref[:D, :], preferred_element_type=jnp.float32)
    h = h + jnp.dot(agg / deg, w_ref[D:, :], preferred_element_type=jnp.float32)
    h = h + b_ref[...]
    h = jnp.maximum(h, 0.0)
    nrm = jnp.sqrt(jnp.sum(h * h, axis=1, keepdims=True))
    h_ref[...] = h / (nrm + 1e-12)


def _tc2_body(h1_ref, a0_ref, a1_ref, deg_ref, w2_ref, b2_ref, wc_ref, bc_ref,
              out_ref):
    deg = jnp.maximum(deg_ref[...], 1.0)
    agg = (a0_ref[0] + a1_ref[0]) / deg
    h2 = jnp.dot(h1_ref[...], w2_ref[:D, :], preferred_element_type=jnp.float32)
    h2 = h2 + jnp.dot(agg, w2_ref[D:, :], preferred_element_type=jnp.float32)
    h2 = h2 + b2_ref[...]
    out_ref[...] = (jnp.dot(h2, wc_ref[...], preferred_element_type=jnp.float32)
                    + bc_ref[...])


def _row_spec(width):
    return pl.BlockSpec((ROWS_BLK, width), lambda i: (i, 0))


def _acc_spec(c):
    return pl.BlockSpec((1, ROWS_BLK, D), lambda i, c=c: (c, i, 0))


def _full_spec(shape):
    return pl.BlockSpec(shape, lambda i: tuple(0 for _ in shape))


def kernel(x, edge_index, W1, b1, W2, b2, Wc, bc):
    src = edge_index[0].astype(jnp.int32)
    dst = edge_index[1].astype(jnp.int32)

    npad = EPAD - E
    pad_ids = jnp.arange(npad, dtype=jnp.int32)
    src_r = jnp.concatenate([src, pad_ids % N])
    dst_r = jnp.concatenate([dst, PADROW + pad_ids % (NACC - N)])

    zeros_big = jnp.zeros((NACC, D), jnp.float32)
    zeros_flat = jnp.zeros((NDEG,), jnp.float32)

    acc1, deg32 = _sc_agg_deg(x, src_r, dst_r, zeros_big, zeros_flat)

    degcol = deg32.sum(axis=0)[:N].reshape(N, 1)

    h1 = pl.pallas_call(
        _tc1_body,
        grid=(N // ROWS_BLK,),
        in_specs=[
            _row_spec(D),
            _acc_spec(0),
            _acc_spec(1),
            pl.BlockSpec((ROWS_BLK, 1), lambda i: (i, 0)),
            _full_spec((2 * D, D)),
            _full_spec((1, D)),
        ],
        out_specs=_row_spec(D),
        out_shape=jax.ShapeDtypeStruct((N, D), jnp.float32),
    )(x, acc1, acc1, degcol, W1, b1.reshape(1, D))

    acc2 = _sc_agg(h1, src_r, dst_r, zeros_big)

    logits = pl.pallas_call(
        _tc2_body,
        grid=(N // ROWS_BLK,),
        in_specs=[
            _row_spec(D),
            _acc_spec(0),
            _acc_spec(1),
            pl.BlockSpec((ROWS_BLK, 1), lambda i: (i, 0)),
            _full_spec((2 * D, D)),
            _full_spec((1, D)),
            _full_spec((D, 16)),
            _full_spec((1, 16)),
        ],
        out_specs=pl.BlockSpec((ROWS_BLK, 16), lambda i: (i, 0)),
        out_shape=jax.ShapeDtypeStruct((N, 16), jnp.float32),
    )(h1, acc2, acc2, degcol, W2, b2.reshape(1, D), Wc, bc.reshape(1, 16))

    return logits

# --- scband reference (transcript-rebuilt; emitter-appended) ---
"""Pipeline reference for scband-graph-mixup-19885698580669 (READ-ONLY COPY).

The authoritative reference and input builder live on the scoring server;
editing this copy changes nothing except your own understanding.
"""

import jax, jax.numpy as jnp
import numpy as np

N_NODES = 10000
N_EDGES = 320000
D_FEAT = 128
N_HIDDEN = 128
N_CLASSES = 16


def setup_inputs(seed: int = 0) -> dict:
    key = jax.random.key(seed)
    ks = jax.random.split(key, 8)
    x = jax.random.normal(ks[0], (N_NODES, D_FEAT), dtype=jnp.float32)
    edge_index = jax.random.randint(ks[1], (2, N_EDGES), 0, N_NODES, dtype=jnp.int64)
    # SAGE layer 1: concat(self, neigh) -> hidden
    W1 = jax.random.normal(ks[2], (2 * D_FEAT, N_HIDDEN), dtype=jnp.float32) * (1.0 / np.sqrt(2 * D_FEAT))
    b1 = jnp.zeros((N_HIDDEN,), dtype=jnp.float32)
    # SAGE layer 2: concat(hidden, neigh_hidden) -> hidden
    W2 = jax.random.normal(ks[3], (2 * N_HIDDEN, N_HIDDEN), dtype=jnp.float32) * (1.0 / np.sqrt(2 * N_HIDDEN))
    b2 = jnp.zeros((N_HIDDEN,), dtype=jnp.float32)
    # classifier head
    Wc = jax.random.normal(ks[4], (N_HIDDEN, N_CLASSES), dtype=jnp.float32) * (1.0 / np.sqrt(N_HIDDEN))
    bc = jnp.zeros((N_CLASSES,), dtype=jnp.float32)
    return {"x": x, "edge_index": edge_index, "W1": W1, "b1": b1, "W2": W2, "b2": b2, "Wc": Wc, "bc": bc}


def reference(x, edge_index, W1, b1, W2, b2, Wc, bc):
    src = edge_index[0]
    dst = edge_index[1]
    n = x.shape[0]
    deg = jnp.zeros((n,), dtype=jnp.float32).at[dst].add(1.0)
    deg = jnp.clip(deg, 1.0)

    def sage_conv(h, W, b):
        msgs = h[src]  # gather over edges
        agg = jax.ops.segment_sum(msgs, dst, num_segments=n)  # scatter-add
        agg = agg / deg[:, None]  # mean aggregation
        hcat = jnp.concatenate([h, agg], axis=1)
        return hcat @ W + b

    h1 = jax.nn.relu(sage_conv(x, W1, b1))
    # F.normalize as in Encoder between layers
    h1 = h1 / (jnp.linalg.norm(h1, axis=1, keepdims=True) + 1e-12)
    h2 = sage_conv(h1, W2, b2)
    logits = h2 @ Wc + bc
    return logits

if __name__ == "__main__":
    import jax
    _d = setup_inputs()
    print(jax.jit(kernel)(*tuple(_d.values())))

</pallas_src>

<mosaic_0001>
#map = affine_map<(d0, d1) -> (0, 0)>
#map1 = affine_map<(d0, d1) -> (0)>
#map2 = affine_map<(d0, d1) -> (0, 0, 0)>
module attributes {stable_mosaic.version = 14 : i64} {
  func.func @sc_kernel(%arg0: i32, %arg1: i32, %arg2: memref<10000x128xf32, #tpu.memory_space<hbm>>, %arg3: memref<327680xi32, #tpu.memory_space<hbm>>, %arg4: memref<327680xi32, #tpu.memory_space<hbm>>, %arg5: memref<10112x128xf32, #tpu.memory_space<hbm>>, %arg6: memref<10240xf32, #tpu.memory_space<hbm>>, %arg7: memref<2x10112x128xf32, #tpu.memory_space<hbm>>, %arg8: memref<32x10240xf32, #tpu.memory_space<hbm>>, %arg9: memref<128xi32, #tpu.memory_space<vmem>>, %arg10: memref<128xi32, #tpu.memory_space<vmem>>, %arg11: memref<128xi32, #tpu.memory_space<vmem>>, %arg12: memref<128xi32, #tpu.memory_space<vmem>>, %arg13: memref<128x128xf32, #tpu.memory_space<vmem>>, %arg14: memref<128x128xf32, #tpu.memory_space<vmem>>, %arg15: memref<10112x128xf32, #tpu.memory_space<vmem_shared>>, %arg16: memref<!tpu.dma_semaphore, #tpu.memory_space<semaphore_mem>>, %arg17: memref<!tpu.dma_semaphore, #tpu.memory_space<semaphore_mem>>, %arg18: memref<!tpu.dma_semaphore, #tpu.memory_space<semaphore_mem>>, %arg19: memref<!tpu.dma_semaphore, #tpu.memory_space<semaphore_mem>>, %arg20: memref<!tpu.dma_semaphore, #tpu.memory_space<semaphore_mem>>, %arg21: memref<!tpu.dma_semaphore, #tpu.memory_space<semaphore_mem>>, %arg22: memref<10240xf32, #tpu.memory_space<vmem>>) attributes {dimension_semantics = [#tpu.dimension_semantics<core_parallel>, #tpu.dimension_semantics<subcore_parallel>], iteration_bounds = array<i64: 2, 16>, scalar_prefetch = 0 : i64, scratch_operands = 14 : i64, tpu.core_type = #tpu.core_type<sc_vector_subcore>, window_params = [{transform_indices = #map}, {transform_indices = #map1}, {transform_indices = #map1}, {transform_indices = #map}, {transform_indices = #map1}, {transform_indices = #map2}, {transform_indices = #map}]} {
    %mul3A = arith.constant 2 : i32
    %mul3A_0 = arith.muli %arg1, %mul3A : i32
    %add3A = arith.addi %mul3A_0, %arg0 : i32
    %mul3A_1 = arith.constant 10240 : i32
    %mul3A_2 = arith.muli %add3A, %mul3A_1 : i32
    %mul3A_3 = arith.constant 632 : i32
    %mul3A_4 = arith.muli %arg1, %mul3A_3 : i32
    %mul3A_5 = arith.constant 632 : i32
    %mul3A_6 = arith.muli %arg1, %mul3A_5 : i32
    "tpu.region"() ({
      %run_scoped3A = tpu.sem_alloc : memref<!tpu.dma_semaphore, #tpu.memory_space<semaphore_mem>>
      %dma_start3A_31 = arith.constant 0 : i32
      %dma_start3A_32 = tpu.memref_slice %arg15[%mul3A_6, %dma_start3A_31] : memref<10112x128xf32, #tpu.memory_space<vmem_shared>> -> memref<632x128xf32, #tpu.memory_space<vmem_shared>>
      %dma_start3A_33 = arith.constant 0 : i32
      %dma_start3A_34 = tpu.memref_slice %arg5[%mul3A_4, %dma_start3A_33] : memref<10112x128xf32, #tpu.memory_space<hbm>> -> memref<632x128xf32, #tpu.memory_space<hbm>>
      tpu.enqueue_dma source(%dma_start3A_34 : memref<632x128xf32, #tpu.memory_space<hbm>>) target(%dma_start3A_32 : memref<632x128xf32, #tpu.memory_space<vmem_shared>>) target_semaphore(%run_scoped3A : memref<!tpu.dma_semaphore, #tpu.memory_space<semaphore_mem>>)
      %dma_wait3A = arith.constant 0 : i32
      %dma_wait3A_35 = tpu.memref_slice %arg15[%mul3A_6, %dma_wait3A] : memref<10112x128xf32, #tpu.memory_space<vmem_shared>> -> memref<632x128xf32, #tpu.memory_space<vmem_shared>>
      %dma_wait3A_36 = arith.constant 0 : i32
      %dma_wait3A_37 = tpu.memref_slice %arg5[%mul3A_4, %dma_wait3A_36] : memref<10112x128xf32, #tpu.memory_space<hbm>> -> memref<632x128xf32, #tpu.memory_space<hbm>>
      tpu.wait_dma2 semaphore(%run_scoped3A : memref<!tpu.dma_semaphore, #tpu.memory_space<semaphore_mem>>) src(%dma_wait3A_37 : memref<632x128xf32, #tpu.memory_space<hbm>>) dst(%dma_wait3A_35 : memref<632x128xf32, #tpu.memory_space<vmem_shared>>)
      tpu.yield
    }) : () -> ()
    "tpu.region"() ({
      %run_scoped3A = tpu.sem_alloc : memref<!tpu.dma_semaphore, #tpu.memory_space<semaphore_mem>>
      tpu.enqueue_dma source(%arg6 : memref<10240xf32, #tpu.memory_space<hbm>>) target(%arg22 : memref<10240xf32, #tpu.memory_space<vmem>>) target_semaphore(%run_scoped3A : memref<!tpu.dma_semaphore, #tpu.memory_space<semaphore_mem>>)
      tpu.wait_dma2 semaphore(%run_scoped3A : memref<!tpu.dma_semaphore, #tpu.memory_space<semaphore_mem>>) src(%arg6 : memref<10240xf32, #tpu.memory_space<hbm>>) dst(%arg22 : memref<10240xf32, #tpu.memory_space<vmem>>)
      tpu.yield
    }) : () -> ()
    %broadcast_in_dim3A = arith.constant 1.000000e+00 : f32
    %broadcast_in_dim3A_7 = vector.broadcast %broadcast_in_dim3A : f32 to vector<16xf32>
    %barrier3A = arith.constant 0 : index
    tpu.barrier barrier_id(%barrier3A)
    %add3A_8 = arith.constant 0 : i32
    %add3A_9 = arith.addi %mul3A_2, %add3A_8 : i32
    "tpu.region"() ({
      %run_scoped3A = tpu.sem_alloc : memref<!tpu.dma_semaphore, #tpu.memory_space<semaphore_mem>>
      %dma_start3A_31 = tpu.memref_slice %arg3[%add3A_9] : memref<327680xi32, #tpu.memory_space<hbm>> -> memref<128xi32, #tpu.memory_space<hbm>>
      %dma_start3A_32 = tpu.memref_slice %arg3[%add3A_9] : memref<327680xi32, #tpu.memory_space<hbm>> -> memref<128xi32, #tpu.memory_space<hbm>>
      tpu.enqueue_dma source(%dma_start3A_32 : memref<128xi32, #tpu.memory_space<hbm>>) target(%arg9 : memref<128xi32, #tpu.memory_space<vmem>>) target_semaphore(%run_scoped3A : memref<!tpu.dma_semaphore, #tpu.memory_space<semaphore_mem>>)
      %dma_wait3A = tpu.memref_slice %arg3[%add3A_9] : memref<327680xi32, #tpu.memory_space<hbm>> -> memref<128xi32, #tpu.memory_space<hbm>>
      %dma_wait3A_33 = tpu.memref_slice %arg3[%add3A_9] : memref<327680xi32, #tpu.memory_space<hbm>> -> memref<128xi32, #tpu.memory_space<hbm>>
      tpu.wait_dma2 semaphore(%run_scoped3A : memref<!tpu.dma_semaphore, #tpu.memory_space<semaphore_mem>>) src(%dma_wait3A_33 : memref<128xi32, #tpu.memory_space<hbm>>) dst(%arg9 : memref<128xi32, #tpu.memory_space<vmem>>)
      tpu.yield
    }) : () -> ()
    %add3A_10 = arith.constant 0 : i32
    %add3A_11 = arith.addi %mul3A_2, %add3A_10 : i32
    "tpu.region"() ({
      %run_scoped3A = tpu.sem_alloc : memref<!tpu.dma_semaphore, #tpu.memory_space<semaphore_mem>>
      %dma_start3A_31 = tpu.memref_slice %arg4[%add3A_11] : memref<327680xi32, #tpu.memory_space<hbm>> -> memref<128xi32, #tpu.memory_space<hbm>>
      %dma_start3A_32 = tpu.memref_slice %arg4[%add3A_11] : memref<327680xi32, #tpu.memory_space<hbm>> -> memref<128xi32, #tpu.memory_space<hbm>>
      tpu.enqueue_dma source(%dma_start3A_32 : memref<128xi32, #tpu.memory_space<hbm>>) target(%arg11 : memref<128xi32, #tpu.memory_space<vmem>>) target_semaphore(%run_scoped3A : memref<!tpu.dma_semaphore, #tpu.memory_space<semaphore_mem>>)
      %dma_wait3A = tpu.memref_slice %arg4[%add3A_11] : memref<327680xi32, #tpu.memory_space<hbm>> -> memref<128xi32, #tpu.memory_space<hbm>>
      %dma_wait3A_33 = tpu.memref_slice %arg4[%add3A_11] : memref<327680xi32, #tpu.memory_space<hbm>> -> memref<128xi32, #tpu.memory_space<hbm>>
      tpu.wait_dma2 semaphore(%run_scoped3A : memref<!tpu.dma_semaphore, #tpu.memory_space<semaphore_mem>>) src(%dma_wait3A_33 : memref<128xi32, #tpu.memory_space<hbm>>) dst(%arg11 : memref<128xi32, #tpu.memory_space<vmem>>)
      tpu.yield
    }) : () -> ()
    %dma_start3A = arith.constant 0 : i32
    %dma_start3A_12 = arith.constant 0 : i32
    %dma_start3A_13 = tpu.memref_slice %arg2[%dma_start3A, %dma_start3A_12] : memref<10000x128xf32, #tpu.memory_space<hbm>> -> memref<10000x128xf32, #tpu.memory_space<hbm>>
    tpu.enqueue_indirect_dma source(%dma_start3A_13 : memref<10000x128xf32, #tpu.memory_space<hbm>>) target(%arg13 : memref<128x128xf32, #tpu.memory_space<vmem>>) offsets(%arg9 : memref<128xi32, #tpu.memory_space<vmem>>) semaphore(%arg16 : memref<!tpu.dma_semaphore, #tpu.memory_space<semaphore_mem>>)
    %add3A_14 = arith.constant 128 : i32
    %add3A_15 = arith.addi %mul3A_2, %add3A_14 : i32
    "tpu.region"() ({
      %run_scoped3A = tpu.sem_alloc : memref<!tpu.dma_semaphore, #tpu.memory_space<semaphore_mem>>
      %dma_start3A_31 = tpu.memref_slice %arg3[%add3A_15] : memref<327680xi32, #tpu.memory_space<hbm>> -> memref<128xi32, #tpu.memory_space<hbm>>
      %dma_start3A_32 = tpu.memref_slice %arg3[%add3A_15] : memref<327680xi32, #tpu.memory_space<hbm>> -> memref<128xi32, #tpu.memory_space<hbm>>
      tpu.enqueue_dma source(%dma_start3A_32 : memref<128xi32, #tpu.memory_space<hbm>>) target(%arg10 : memref<128xi32, #tpu.memory_space<vmem>>) target_semaphore(%run_scoped3A : memref<!tpu.dma_semaphore, #tpu.memory_space<semaphore_mem>>)
      %dma_wait3A = tpu.memref_slice %arg3[%add3A_15] : memref<327680xi32, #tpu.memory_space<hbm>> -> memref<128xi32, #tpu.memory_space<hbm>>
      %dma_wait3A_33 = tpu.memref_slice %arg3[%add3A_15] : memref<327680xi32, #tpu.memory_space<hbm>> -> memref<128xi32, #tpu.memory_space<hbm>>
      tpu.wait_dma2 semaphore(%run_scoped3A : memref<!tpu.dma_semaphore, #tpu.memory_space<semaphore_mem>>) src(%dma_wait3A_33 : memref<128xi32, #tpu.memory_space<hbm>>) dst(%arg10 : memref<128xi32, #tpu.memory_space<vmem>>)
      tpu.yield
    }) : () -> ()
    %add3A_16 = arith.constant 128 : i32
    %add3A_17 = arith.addi %mul3A_2, %add3A_16 : i32
    "tpu.region"() ({
      %run_scoped3A = tpu.sem_alloc : memref<!tpu.dma_semaphore, #tpu.memory_space<semaphore_mem>>
      %dma_start3A_31 = tpu.memref_slice %arg4[%add3A_17] : memref<327680xi32, #tpu.memory_space<hbm>> -> memref<128xi32, #tpu.memory_space<hbm>>
      %dma_start3A_32 = tpu.memref_slice %arg4[%add3A_17] : memref<327680xi32, #tpu.memory_space<hbm>> -> memref<128xi32, #tpu.memory_space<hbm>>
      tpu.enqueue_dma source(%dma_start3A_32 : memref<128xi32, #tpu.memory_space<hbm>>) target(%arg12 : memref<128xi32, #tpu.memory_space<vmem>>) target_semaphore(%run_scoped3A : memref<!tpu.dma_semaphore, #tpu.memory_space<semaphore_mem>>)
      %dma_wait3A = tpu.memref_slice %arg4[%add3A_17] : memref<327680xi32, #tpu.memory_space<hbm>> -> memref<128xi32, #tpu.memory_space<hbm>>
      %dma_wait3A_33 = tpu.memref_slice %arg4[%add3A_17] : memref<327680xi32, #tpu.memory_space<hbm>> -> memref<128xi32, #tpu.memory_space<hbm>>
      tpu.wait_dma2 semaphore(%run_scoped3A : memref<!tpu.dma_semaphore, #tpu.memory_space<semaphore_mem>>) src(%dma_wait3A_33 : memref<128xi32, #tpu.memory_space<hbm>>) dst(%arg12 : memref<128xi32, #tpu.memory_space<vmem>>)
      tpu.yield
    }) : () -> ()
    %dma_start3A_18 = arith.constant 0 : i32
    %dma_start3A_19 = arith.constant 0 : i32
    %dma_start3A_20 = tpu.memref_slice %arg2[%dma_start3A_18, %dma_start3A_19] : memref<10000x128xf32, #tpu.memory_space<hbm>> -> memref<10000x128xf32, #tpu.memory_space<hbm>>
    tpu.enqueue_indirect_dma source(%dma_start3A_20 : memref<10000x128xf32, #tpu.memory_space<hbm>>) target(%arg14 : memref<128x128xf32, #tpu.memory_space<vmem>>) offsets(%arg10 : memref<128xi32, #tpu.memory_space<vmem>>) semaphore(%arg17 : memref<!tpu.dma_semaphore, #tpu.memory_space<semaphore_mem>>)
    %scan3A = arith.constant 0 : i32
    %scan3A_21 = arith.constant 0 : i32
    %scan3A_22 = arith.constant 40 : i32
    %scan3A_23 = arith.addi %scan3A_21, %scan3A_22 : i32
    %scan3A_24 = arith.constant 1 : i32
    scf.for %scan3A_31 = %scan3A_21 to %scan3A_23 step %scan3A_24  : i32 {
      %mul3A_32 = arith.constant 2 : i32
      %mul3A_33 = arith.muli %mul3A_32, %scan3A_31 : i32
      %add3A_34 = arith.constant 0 : i32
      %add3A_35 = arith.addi %mul3A_33, %add3A_34 : i32
      %dma_wait3A = arith.constant 0 : i32
      %dma_wait3A_36 = arith.constant 0 : i32
      %dma_wait3A_37 = tpu.memref_slice %arg2[%dma_wait3A, %dma_wait3A_36] : memref<10000x128xf32, #tpu.memory_space<hbm>> -> memref<10000x128xf32, #tpu.memory_space<hbm>>
      tpu.wait_indirect_dma semaphore(%arg16 : memref<!tpu.dma_semaphore, #tpu.memory_space<semaphore_mem>>) src(%dma_wait3A_37 : memref<10000x128xf32, #tpu.memory_space<hbm>>) dst(%arg13 : memref<128x128xf32, #tpu.memory_space<vmem>>)
      %add3A_38 = arith.constant 2 : i32
      %add3A_39 = arith.addi %add3A_35, %add3A_38 : i32
      %lt3A = arith.constant 80 : i32
      %lt3A_40 = arith.cmpi slt, %add3A_39, %lt3A : i32
      %convert_element_type3A = arith.extui %lt3A_40 : i1 to i32
      %cond3A = arith.constant 0 : i32
      %cond3A_41 = arith.cmpi ne, %convert_element_type3A, %cond3A : i32
      scf.if %cond3A_41 {
        %add3A_110 = arith.constant 2 : i32
        %add3A_111 = arith.addi %add3A_35, %add3A_110 : i32
        %mul3A_112 = arith.constant 128 : i32
        %mul3A_113 = arith.muli %add3A_111, %mul3A_112 : i32
        %add3A_114 = arith.addi %mul3A_2, %mul3A_113 : i32
        %dma_start3A_115 = tpu.memref_slice %arg3[%add3A_114] : memref<327680xi32, #tpu.memory_space<hbm>> -> memref<128xi32, #tpu.memory_space<hbm>>
        %dma_start3A_116 = tpu.memref_slice %arg3[%add3A_114] : memref<327680xi32, #tpu.memory_space<hbm>> -> memref<128xi32, #tpu.memory_space<hbm>>
        tpu.enqueue_dma source(%dma_start3A_116 : memref<128xi32, #tpu.memory_space<hbm>>) target(%arg9 : memref<128xi32, #tpu.memory_space<vmem>>) target_semaphore(%arg18 : memref<!tpu.dma_semaphore, #tpu.memory_space<semaphore_mem>>)
      } else {
      }
      %ge3A = arith.constant 2 : i32
      %ge3A_42 = arith.cmpi sge, %add3A_35, %ge3A : i32
      %convert_element_type3A_43 = arith.extui %ge3A_42 : i1 to i32
      %cond3A_44 = arith.constant 0 : i32
      %cond3A_45 = arith.cmpi ne, %convert_element_type3A_43, %cond3A_44 : i32
      scf.if %cond3A_45 {
        %mul3A_110 = arith.constant 128 : i32
        %mul3A_111 = arith.muli %add3A_35, %mul3A_110 : i32
        %add3A_112 = arith.addi %mul3A_2, %mul3A_111 : i32
        %dma_wait3A_113 = tpu.memref_slice %arg4[%add3A_112] : memref<327680xi32, #tpu.memory_space<hbm>> -> memref<128xi32, #tpu.memory_space<hbm>>
        %dma_wait3A_114 = tpu.memref_slice %arg4[%add3A_112] : memref<327680xi32, #tpu.memory_space<hbm>> -> memref<128xi32, #tpu.memory_space<hbm>>
        tpu.wait_dma2 semaphore(%arg20 : memref<!tpu.dma_semaphore, #tpu.memory_space<semaphore_mem>>) src(%dma_wait3A_114 : memref<128xi32, #tpu.memory_space<hbm>>) dst(%arg11 : memref<128xi32, #tpu.memory_space<vmem>>)
      } else {
      }
      %get3A = arith.constant 0 : index
      %get3A_46 = tpu.vector_load %arg11[%get3A] {strides = array<i32>} : memref<128xi32, #tpu.memory_space<vmem>>, vector<16xi32>,
      tpu.vector_store_idx %arg22[%get3A_46], %broadcast_in_dim3A_7 {add = true} : memref<10240xf32, #tpu.memory_space<vmem>>[vector<16xi32>], vector<16xf32>,
      %get3A_47 = arith.constant 16 : index
      %get3A_48 = tpu.vector_load %arg11[%get3A_47] {strides = array<i32>} : memref<128xi32, #tpu.memory_space<vmem>>, vector<16xi32>,
      tpu.vector_store_idx %arg22[%get3A_48], %broadcast_in_dim3A_7 {add = true} : memref<10240xf32, #tpu.memory_space<vmem>>[vector<16xi32>], vector<16xf32>,
      %get3A_49 = arith.constant 32 : index
      %get3A_50 = tpu.vector_load %arg11[%get3A_49] {strides = array<i32>} : memref<128xi32, #tpu.memory_space<vmem>>, vector<16xi32>,
      tpu.vector_store_idx %arg22[%get3A_50], %broadcast_in_dim3A_7 {add = true} : memref<10240xf32, #tpu.memory_space<vmem>>[vector<16xi32>], vector<16xf32>,
      %get3A_51 = arith.constant 48 : index
      %get3A_52 = tpu.vector_load %arg11[%get3A_51] {strides = array<i32>} : memref<128xi32, #tpu.memory_space<vmem>>, vector<16xi32>,
      tpu.vector_store_idx %arg22[%get3A_52], %broadcast_in_dim3A_7 {add = true} : memref<10240xf32, #tpu.memory_space<vmem>>[vector<16xi32>], vector<16xf32>,
      %get3A_53 = arith.constant 64 : index
      %get3A_54 = tpu.vector_load %arg11[%get3A_53] {strides = array<i32>} : memref<128xi32, #tpu.memory_space<vmem>>, vector<16xi32>,
      tpu.vector_store_idx %arg22[%get3A_54], %broadcast_in_dim3A_7 {add = true} : memref<10240xf32, #tpu.memory_space<vmem>>[vector<16xi32>], vector<16xf32>,
      %get3A_55 = arith.constant 80 : index
      %get3A_56 = tpu.vector_load %arg11[%get3A_55] {strides = array<i32>} : memref<128xi32, #tpu.memory_space<vmem>>, vector<16xi32>,
      tpu.vector_store_idx %arg22[%get3A_56], %broadcast_in_dim3A_7 {add = true} : memref<10240xf32, #tpu.memory_space<vmem>>[vector<16xi32>], vector<16xf32>,
      %get3A_57 = arith.constant 96 : index
      %get3A_58 = tpu.vector_load %arg11[%get3A_57] {strides = array<i32>} : memref<128xi32, #tpu.memory_space<vmem>>, vector<16xi32>,
      tpu.vector_store_idx %arg22[%get3A_58], %broadcast_in_dim3A_7 {add = true} : memref<10240xf32, #tpu.memory_space<vmem>>[vector<16xi32>], vector<16xf32>,
      %get3A_59 = arith.constant 112 : index
      %get3A_60 = tpu.vector_load %arg11[%get3A_59] {strides = array<i32>} : memref<128xi32, #tpu.memory_space<vmem>>, vector<16xi32>,
      tpu.vector_store_idx %arg22[%get3A_60], %broadcast_in_dim3A_7 {add = true} : memref<10240xf32, #tpu.memory_space<vmem>>[vector<16xi32>], vector<16xf32>,
      "tpu.region"() ({
        %run_scoped3A = tpu.sem_alloc : memref<!tpu.dma_semaphore, #tpu.memory_space<semaphore_mem>>
        %dma_start3A_110 = arith.constant 0 : i32
        %dma_start3A_111 = arith.constant 0 : i32
        %dma_start3A_112 = tpu.memref_slice %arg15[%dma_start3A_110, %dma_start3A_111] : memref<10112x128xf32, #tpu.memory_space<vmem_shared>> -> memref<10112x128xf32, #tpu.memory_space<vmem_shared>>
        tpu.enqueue_indirect_dma source(%arg13 : memref<128x128xf32, #tpu.memory_space<vmem>>) target(%dma_start3A_112 : memref<10112x128xf32, #tpu.memory_space<vmem_shared>>) offsets(%arg11 : memref<128xi32, #tpu.memory_space<vmem>>) semaphore(%run_scoped3A : memref<!tpu.dma_semaphore, #tpu.memory_space<semaphore_mem>>) {add = true}
        %dma_wait3A_113 = arith.constant 0 : i32
        %dma_wait3A_114 = arith.constant 0 : i32
        %dma_wait3A_115 = tpu.memref_slice %arg15[%dma_wait3A_113, %dma_wait3A_114] : memref<10112x128xf32, #tpu.memory_space<vmem_shared>> -> memref<10112x128xf32, #tpu.memory_space<vmem_shared>>
        tpu.wait_indirect_dma semaphore(%run_scoped3A : memref<!tpu.dma_semaphore, #tpu.memory_space<semaphore_mem>>) src(%arg13 : memref<128x128xf32, #tpu.memory_space<vmem>>) dst(%dma_wait3A_115 : memref<10112x128xf32, #tpu.memory_space<vmem_shared>>)
        tpu.yield
      }) : () -> ()
      %add3A_61 = arith.constant 2 : i32
      %add3A_62 = arith.addi %add3A_35, %add3A_61 : i32
      %lt3A_63 = arith.constant 80 : i32
      %lt3A_64 = arith.cmpi slt, %add3A_62, %lt3A_63 : i32
      %convert_element_type3A_65 = arith.extui %lt3A_64 : i1 to i32
      %cond3A_66 = arith.constant 0 : i32
      %cond3A_67 = arith.cmpi ne, %convert_element_type3A_65, %cond3A_66 : i32
      scf.if %cond3A_67 {
        %add3A_110 = arith.constant 2 : i32
        %add3A_111 = arith.addi %add3A_35, %add3A_110 : i32
        %mul3A_112 = arith.constant 128 : i32
        %mul3A_113 = arith.muli %add3A_111, %mul3A_112 : i32
        %add3A_114 = arith.addi %mul3A_2, %mul3A_113 : i32
        %dma_start3A_115 = tpu.memref_slice %arg4[%add3A_114] : memref<327680xi32, #tpu.memory_space<hbm>> -> memref<128xi32, #tpu.memory_space<hbm>>
        %dma_start3A_116 = tpu.memref_slice %arg4[%add3A_114] : memref<327680xi32, #tpu.memory_space<hbm>> -> memref<128xi32, #tpu.memory_space<hbm>>
        tpu.enqueue_dma source(%dma_start3A_116 : memref<128xi32, #tpu.memory_space<hbm>>) target(%arg11 : memref<128xi32, #tpu.memory_space<vmem>>) target_semaphore(%arg20 : memref<!tpu.dma_semaphore, #tpu.memory_space<semaphore_mem>>)
        %add3A_117 = arith.constant 2 : i32
        %add3A_118 = arith.addi %add3A_35, %add3A_117 : i32
        %mul3A_119 = arith.constant 128 : i32
        %mul3A_120 = arith.muli %add3A_118, %mul3A_119 : i32
        %add3A_121 = arith.addi %mul3A_2, %mul3A_120 : i32
        %dma_wait3A_122 = tpu.memref_slice %arg3[%add3A_121] : memref<327680xi32, #tpu.memory_space<hbm>> -> memref<128xi32, #tpu.memory_space<hbm>>
        %dma_wait3A_123 = tpu.memref_slice %arg3[%add3A_121] : memref<327680xi32, #tpu.memory_space<hbm>> -> memref<128xi32, #tpu.memory_space<hbm>>
        tpu.wait_dma2 semaphore(%arg18 : memref<!tpu.dma_semaphore, #tpu.memory_space<semaphore_mem>>) src(%dma_wait3A_123 : memref<128xi32, #tpu.memory_space<hbm>>) dst(%arg9 : memref<128xi32, #tpu.memory_space<vmem>>)
        %dma_start3A_124 = arith.constant 0 : i32
        %dma_start3A_125 = arith.constant 0 : i32
        %dma_start3A_126 = tpu.memref_slice %arg2[%dma_start3A_124, %dma_start3A_125] : memref<10000x128xf32, #tpu.memory_space<hbm>> -> memref<10000x128xf32, #tpu.memory_space<hbm>>
        tpu.enqueue_indirect_dma source(%dma_start3A_126 : memref<10000x128xf32, #tpu.memory_space<hbm>>) target(%arg13 : memref<128x128xf32, #tpu.memory_space<vmem>>) offsets(%arg9 : memref<128xi32, #tpu.memory_space<vmem>>) semaphore(%arg16 : memref<!tpu.dma_semaphore, #tpu.memory_space<semaphore_mem>>)
      } else {
      }
      %mul3A_68 = arith.constant 2 : i32
      %mul3A_69 = arith.muli %mul3A_68, %scan3A_31 : i32
      %add3A_70 = arith.constant 1 : i32
      %add3A_71 = arith.addi %mul3A_69, %add3A_70 : i32
      %dma_wait3A_72 = arith.constant 0 : i32
      %dma_wait3A_73 = arith.constant 0 : i32
      %dma_wait3A_74 = tpu.memref_slice %arg2[%dma_wait3A_72, %dma_wait3A_73] : memref<10000x128xf32, #tpu.memory_space<hbm>> -> memref<10000x128xf32, #tpu.memory_space<hbm>>
      tpu.wait_indirect_dma semaphore(%arg17 : memref<!tpu.dma_semaphore, #tpu.memory_space<semaphore_mem>>) src(%dma_wait3A_74 : memref<10000x128xf32, #tpu.memory_space<hbm>>) dst(%arg14 : memref<128x128xf32, #tpu.memory_space<vmem>>)
      %add3A_75 = arith.constant 2 : i32
      %add3A_76 = arith.addi %add3A_71, %add3A_75 : i32
      %lt3A_77 = arith.constant 80 : i32
      %lt3A_78 = arith.cmpi slt, %add3A_76, %lt3A_77 : i32
      %convert_element_type3A_79 = arith.extui %lt3A_78 : i1 to i32
      %cond3A_80 = arith.constant 0 : i32
      %cond3A_81 = arith.cmpi ne, %convert_element_type3A_79, %cond3A_80 : i32
      scf.if %cond3A_81 {
        %add3A_110 = arith.constant 2 : i32
        %add3A_111 = arith.addi %add3A_71, %add3A_110 : i32
        %mul3A_112 = arith.constant 128 : i32
        %mul3A_113 = arith.muli %add3A_111, %mul3A_112 : i32
        %add3A_114 = arith.addi %mul3A_2, %mul3A_113 : i32
        %dma_start3A_115 = tpu.memref_slice %arg3[%add3A_114] : memref<327680xi32, #tpu.memory_space<hbm>> -> memref<128xi32, #tpu.memory_space<hbm>>
        %dma_start3A_116 = tpu.memref_slice %arg3[%add3A_114] : memref<327680xi32, #tpu.memory_space<hbm>> -> memref<128xi32, #tpu.memory_space<hbm>>
        tpu.enqueue_dma source(%dma_start3A_116 : memref<128xi32, #tpu.memory_space<hbm>>) target(%arg10 : memref<128xi32, #tpu.memory_space<vmem>>) target_semaphore(%arg19 : memref<!tpu.dma_semaphore, #tpu.memory_space<semaphore_mem>>)
      } else {
      }
      %ge3A_82 = arith.constant 2 : i32
      %ge3A_83 = arith.cmpi sge, %add3A_71, %ge3A_82 : i32
      %convert_element_type3A_84 = arith.extui %ge3A_83 : i1 to i32
      %cond3A_85 = arith.constant 0 : i32
      %cond3A_86 = arith.cmpi ne, %convert_element_type3A_84, %cond3A_85 : i32
      scf.if %cond3A_86 {
        %mul3A_110 = arith.constant 128 : i32
        %mul3A_111 = arith.muli %add3A_71, %mul3A_110 : i32
        %add3A_112 = arith.addi %mul3A_2, %mul3A_111 : i32
        %dma_wait3A_113 = tpu.memref_slice %arg4[%add3A_112] : memref<327680xi32, #tpu.memory_space<hbm>> -> memref<128xi32, #tpu.memory_space<hbm>>
        %dma_wait3A_114 = tpu.memref_slice %arg4[%add3A_112] : memref<327680xi32, #tpu.memory_space<hbm>> -> memref<128xi32, #tpu.memory_space<hbm>>
        tpu.wait_dma2 semaphore(%arg21 : memref<!tpu.dma_semaphore, #tpu.memory_space<semaphore_mem>>) src(%dma_wait3A_114 : memref<128xi32, #tpu.memory_space<hbm>>) dst(%arg12 : memref<128xi32, #tpu.memory_space<vmem>>)
      } else {
      }
      %get3A_87 = arith.constant 0 : index
      %get3A_88 = tpu.vector_load %arg12[%get3A_87] {strides = array<i32>} : memref<128xi32, #tpu.memory_space<vmem>>, vector<16xi32>,
      tpu.vector_store_idx %arg22[%get3A_88], %broadcast_in_dim3A_7 {add = true} : memref<10240xf32, #tpu.memory_space<vmem>>[vector<16xi32>], vector<16xf32>,
      %get3A_89 = arith.constant 16 : index
      %get3A_90 = tpu.vector_load %arg12[%get3A_89] {strides = array<i32>} : memref<128xi32, #tpu.memory_space<vmem>>, vector<16xi32>,
      tpu.vector_store_idx %arg22[%get3A_90], %broadcast_in_dim3A_7 {add = true} : memref<10240xf32, #tpu.memory_space<vmem>>[vector<16xi32>], vector<16xf32>,
      %get3A_91 = arith.constant 32 : index
      %get3A_92 = tpu.vector_load %arg12[%get3A_91] {strides = array<i32>} : memref<128xi32, #tpu.memory_space<vmem>>, vector<16xi32>,
      tpu.vector_store_idx %arg22[%get3A_92], %broadcast_in_dim3A_7 {add = true} : memref<10240xf32, #tpu.memory_space<vmem>>[vector<16xi32>], vector<16xf32>,
      %get3A_93 = arith.constant 48 : index
      %get3A_94 = tpu.vector_load %arg12[%get3A_93] {strides = array<i32>} : memref<128xi32, #tpu.memory_space<vmem>>, vector<16xi32>,
      tpu.vector_store_idx %arg22[%get3A_94], %broadcast_in_dim3A_7 {add = true} : memref<10240xf32, #tpu.memory_space<vmem>>[vector<16xi32>], vector<16xf32>,
      %get3A_95 = arith.constant 64 : index
      %get3A_96 = tpu.vector_load %arg12[%get3A_95] {strides = array<i32>} : memref<128xi32, #tpu.memory_space<vmem>>, vector<16xi32>,
      tpu.vector_store_idx %arg22[%get3A_96], %broadcast_in_dim3A_7 {add = true} : memref<10240xf32, #tpu.memory_space<vmem>>[vector<16xi32>], vector<16xf32>,
      %get3A_97 = arith.constant 80 : index
      %get3A_98 = tpu.vector_load %arg12[%get3A_97] {strides = array<i32>} : memref<128xi32, #tpu.memory_space<vmem>>, vector<16xi32>,
      tpu.vector_store_idx %arg22[%get3A_98], %broadcast_in_dim3A_7 {add = true} : memref<10240xf32, #tpu.memory_space<vmem>>[vector<16xi32>], vector<16xf32>,
      %get3A_99 = arith.constant 96 : index
      %get3A_100 = tpu.vector_load %arg12[%get3A_99] {strides = array<i32>} : memref<128xi32, #tpu.memory_space<vmem>>, vector<16xi32>,
      tpu.vector_store_idx %arg22[%get3A_100], %broadcast_in_dim3A_7 {add = true} : memref<10240xf32, #tpu.memory_space<vmem>>[vector<16xi32>], vector<16xf32>,
      %get3A_101 = arith.constant 112 : index
      %get3A_102 = tpu.vector_load %arg12[%get3A_101] {strides = array<i32>} : memref<128xi32, #tpu.memory_space<vmem>>, vector<16xi32>,
      tpu.vector_store_idx %arg22[%get3A_102], %broadcast_in_dim3A_7 {add = true} : memref<10240xf32, #tpu.memory_space<vmem>>[vector<16xi32>], vector<16xf32>,
      "tpu.region"() ({
        %run_scoped3A = tpu.sem_alloc : memref<!tpu.dma_semaphore, #tpu.memory_space<semaphore_mem>>
        %dma_start3A_110 = arith.constant 0 : i32
        %dma_start3A_111 = arith.constant 0 : i32
        %dma_start3A_112 = tpu.memref_slice %arg15[%dma_start3A_110, %dma_start3A_111] : memref<10112x128xf32, #tpu.memory_space<vmem_shared>> -> memref<10112x128xf32, #tpu.memory_space<vmem_shared>>
        tpu.enqueue_indirect_dma source(%arg14 : memref<128x128xf32, #tpu.memory_space<vmem>>) target(%dma_start3A_112 : memref<10112x128xf32, #tpu.memory_space<vmem_shared>>) offsets(%arg12 : memref<128xi32, #tpu.memory_space<vmem>>) semaphore(%run_scoped3A : memref<!tpu.dma_semaphore, #tpu.memory_space<semaphore_mem>>) {add = true}
        %dma_wait3A_113 = arith.constant 0 : i32
        %dma_wait3A_114 = arith.constant 0 : i32
        %dma_wait3A_115 = tpu.memref_slice %arg15[%dma_wait3A_113, %dma_wait3A_114] : memref<10112x128xf32, #tpu.memory_space<vmem_shared>> -> memref<10112x128xf32, #tpu.memory_space<vmem_shared>>
        tpu.wait_indirect_dma semaphore(%run_scoped3A : memref<!tpu.dma_semaphore, #tpu.memory_space<semaphore_mem>>) src(%arg14 : memref<128x128xf32, #tpu.memory_space<vmem>>) dst(%dma_wait3A_115 : memref<10112x128xf32, #tpu.memory_space<vmem_shared>>)
        tpu.yield
      }) : () -> ()
      %add3A_103 = arith.constant 2 : i32
      %add3A_104 = arith.addi %add3A_71, %add3A_103 : i32
      %lt3A_105 = arith.constant 80 : i32
      %lt3A_106 = arith.cmpi slt, %add3A_104, %lt3A_105 : i32
      %convert_element_type3A_107 = arith.extui %lt3A_106 : i1 to i32
      %cond3A_108 = arith.constant 0 : i32
      %cond3A_109 = arith.cmpi ne, %convert_element_type3A_107, %cond3A_108 : i32
      scf.if %cond3A_109 {
        %add3A_110 = arith.constant 2 : i32
        %add3A_111 = arith.addi %add3A_71, %add3A_110 : i32
        %mul3A_112 = arith.constant 128 : i32
        %mul3A_113 = arith.muli %add3A_111, %mul3A_112 : i32
        %add3A_114 = arith.addi %mul3A_2, %mul3A_113 : i32
        %dma_start3A_115 = tpu.memref_slice %arg4[%add3A_114] : memref<327680xi32, #tpu.memory_space<hbm>> -> memref<128xi32, #tpu.memory_space<hbm>>
        %dma_start3A_116 = tpu.memref_slice %arg4[%add3A_114] : memref<327680xi32, #tpu.memory_space<hbm>> -> memref<128xi32, #tpu.memory_space<hbm>>
        tpu.enqueue_dma source(%dma_start3A_116 : memref<128xi32, #tpu.memory_space<hbm>>) target(%arg12 : memref<128xi32, #tpu.memory_space<vmem>>) target_semaphore(%arg21 : memref<!tpu.dma_semaphore, #tpu.memory_space<semaphore_mem>>)
        %add3A_117 = arith.constant 2 : i32
        %add3A_118 = arith.addi %add3A_71, %add3A_117 : i32
        %mul3A_119 = arith.constant 128 : i32
        %mul3A_120 = arith.muli %add3A_118, %mul3A_119 : i32
        %add3A_121 = arith.addi %mul3A_2, %mul3A_120 : i32
        %dma_wait3A_122 = tpu.memref_slice %arg3[%add3A_121] : memref<327680xi32, #tpu.memory_space<hbm>> -> memref<128xi32, #tpu.memory_space<hbm>>
        %dma_wait3A_123 = tpu.memref_slice %arg3[%add3A_121] : memref<327680xi32, #tpu.memory_space<hbm>> -> memref<128xi32, #tpu.memory_space<hbm>>
        tpu.wait_dma2 semaphore(%arg19 : memref<!tpu.dma_semaphore, #tpu.memory_space<semaphore_mem>>) src(%dma_wait3A_123 : memref<128xi32, #tpu.memory_space<hbm>>) dst(%arg10 : memref<128xi32, #tpu.memory_space<vmem>>)
        %dma_start3A_124 = arith.constant 0 : i32
        %dma_start3A_125 = arith.constant 0 : i32
        %dma_start3A_126 = tpu.memref_slice %arg2[%dma_start3A_124, %dma_start3A_125] : memref<10000x128xf32, #tpu.memory_space<hbm>> -> memref<10000x128xf32, #tpu.memory_space<hbm>>
        tpu.enqueue_indirect_dma source(%dma_start3A_126 : memref<10000x128xf32, #tpu.memory_space<hbm>>) target(%arg14 : memref<128x128xf32, #tpu.memory_space<vmem>>) offsets(%arg10 : memref<128xi32, #tpu.memory_space<vmem>>) semaphore(%arg17 : memref<!tpu.dma_semaphore, #tpu.memory_space<semaphore_mem>>)
      } else {
      }
    }
    %scan3A_25 = arith.constant 40 : i32
    "tpu.region"() ({
      %run_scoped3A = tpu.sem_alloc : memref<!tpu.dma_semaphore, #tpu.memory_space<semaphore_mem>>
      %dma_start3A_31 = arith.constant 0 : i32
      %dma_start3A_32 = tpu.memref_slice %arg8[%add3A, %dma_start3A_31] : memref<32x10240xf32, #tpu.memory_space<hbm>> -> memref<1x10240xf32, #tpu.memory_space<hbm>>
      %dma_start3A_33 = tpu.memref_squeeze %dma_start3A_32 : memref<1x10240xf32, #tpu.memory_space<hbm>> -> memref<10240xf32, #tpu.memory_space<hbm>>
      %dma_start3A_34 = arith.constant 0 : i32
      %dma_start3A_35 = tpu.memref_slice %arg8[%add3A, %dma_start3A_34] : memref<32x10240xf32, #tpu.memory_space<hbm>> -> memref<1x10240xf32, #tpu.memory_space<hbm>>
      %dma_start3A_36 = tpu.memref_squeeze %dma_start3A_35 : memref<1x10240xf32, #tpu.memory_space<hbm>> -> memref<10240xf32, #tpu.memory_space<hbm>>
      tpu.enqueue_dma source(%arg22 : memref<10240xf32, #tpu.memory_space<vmem>>) target(%dma_start3A_36 : memref<10240xf32, #tpu.memory_space<hbm>>) target_semaphore(%run_scoped3A : memref<!tpu.dma_semaphore, #tpu.memory_space<semaphore_mem>>)
      %dma_wait3A = arith.constant 0 : i32
      %dma_wait3A_37 = tpu.memref_slice %arg8[%add3A, %dma_wait3A] : memref<32x10240xf32, #tpu.memory_space<hbm>> -> memref<1x10240xf32, #tpu.memory_space<hbm>>
      %dma_wait3A_38 = tpu.memref_squeeze %dma_wait3A_37 : memref<1x10240xf32, #tpu.memory_space<hbm>> -> memref<10240xf32, #tpu.memory_space<hbm>>
      %dma_wait3A_39 = arith.constant 0 : i32
      %dma_wait3A_40 = tpu.memref_slice %arg8[%add3A, %dma_wait3A_39] : memref<32x10240xf32, #tpu.memory_space<hbm>> -> memref<1x10240xf32, #tpu.memory_space<hbm>>
      %dma_wait3A_41 = tpu.memref_squeeze %dma_wait3A_40 : memref<1x10240xf32, #tpu.memory_space<hbm>> -> memref<10240xf32, #tpu.memory_space<hbm>>
      tpu.wait_dma2 semaphore(%run_scoped3A : memref<!tpu.dma_semaphore, #tpu.memory_space<semaphore_mem>>) src(%arg22 : memref<10240xf32, #tpu.memory_space<vmem>>) dst(%dma_wait3A_41 : memref<10240xf32, #tpu.memory_space<hbm>>)
      tpu.yield
    }) : () -> ()
    %barrier3A_26 = arith.constant 0 : index
    tpu.barrier barrier_id(%barrier3A_26)
    %mul3A_27 = arith.constant 632 : i32
    %mul3A_28 = arith.muli %arg1, %mul3A_27 : i32
    %mul3A_29 = arith.constant 632 : i32
    %mul3A_30 = arith.muli %arg1, %mul3A_29 : i32
    "tpu.region"() ({
      %run_scoped3A = tpu.sem_alloc : memref<!tpu.dma_semaphore, #tpu.memory_space<semaphore_mem>>
      %dma_start3A_31 = arith.constant 0 : i32
      %dma_start3A_32 = tpu.memref_slice %arg7[%arg0, %mul3A_30, %dma_start3A_31] : memref<2x10112x128xf32, #tpu.memory_space<hbm>> -> memref<1x632x128xf32, #tpu.memory_space<hbm>>
      %dma_start3A_33 = tpu.memref_squeeze %dma_start3A_32 : memref<1x632x128xf32, #tpu.memory_space<hbm>> -> memref<632x128xf32, #tpu.memory_space<hbm>>
      %dma_start3A_34 = arith.constant 0 : i32
      %dma_start3A_35 = tpu.memref_slice %arg15[%mul3A_28, %dma_start3A_34] : memref<10112x128xf32, #tpu.memory_space<vmem_shared>> -> memref<632x128xf32, #tpu.memory_space<vmem_shared>>
      tpu.enqueue_dma source(%dma_start3A_35 : memref<632x128xf32, #tpu.memory_space<vmem_shared>>) target(%dma_start3A_33 : memref<632x128xf32, #tpu.memory_space<hbm>>) target_semaphore(%run_scoped3A : memref<!tpu.dma_semaphore, #tpu.memory_space<semaphore_mem>>)
      %dma_wait3A = arith.constant 0 : i32
      %dma_wait3A_36 = tpu.memref_slice %arg7[%arg0, %mul3A_30, %dma_wait3A] : memref<2x10112x128xf32, #tpu.memory_space<hbm>> -> memref<1x632x128xf32, #tpu.memory_space<hbm>>
      %dma_wait3A_37 = tpu.memref_squeeze %dma_wait3A_36 : memref<1x632x128xf32, #tpu.memory_space<hbm>> -> memref<632x128xf32, #tpu.memory_space<hbm>>
      %dma_wait3A_38 = arith.constant 0 : i32
      %dma_wait3A_39 = tpu.memref_slice %arg15[%mul3A_28, %dma_wait3A_38] : memref<10112x128xf32, #tpu.memory_space<vmem_shared>> -> memref<632x128xf32, #tpu.memory_space<vmem_shared>>
      tpu.wait_dma2 semaphore(%run_scoped3A : memref<!tpu.dma_semaphore, #tpu.memory_space<semaphore_mem>>) src(%dma_wait3A_39 : memref<632x128xf32, #tpu.memory_space<vmem_shared>>) dst(%dma_wait3A_37 : memref<632x128xf32, #tpu.memory_space<hbm>>)
      tpu.yield
    }) : () -> ()
    return
  }
}

#map = affine_map<(d0, d1) -> (0, 0)>
#map1 = affine_map<(d0, d1) -> (0)>
#map2 = affine_map<(d0, d1) -> (0, 0, 0)>
module attributes {stable_mosaic.version = 14 : i64} {
  func.func @sc_kernel(%arg0: i32, %arg1: i32, %arg2: memref<10000x128xf32, #tpu.memory_space<hbm>>, %arg3: memref<327680xi32, #tpu.memory_space<hbm>>, %arg4: memref<327680xi32, #tpu.memory_space<hbm>>, %arg5: memref<10112x128xf32, #tpu.memory_space<hbm>>, %arg6: memref<2x10112x128xf32, #tpu.memory_space<hbm>>, %arg7: memref<128xi32, #tpu.memory_space<vmem>>, %arg8: memref<128xi32, #tpu.memory_space<vmem>>, %arg9: memref<128xi32, #tpu.memory_space<vmem>>, %arg10: memref<128xi32, #tpu.memory_space<vmem>>, %arg11: memref<128x128xf32, #tpu.memory_space<vmem>>, %arg12: memref<128x128xf32, #tpu.memory_space<vmem>>, %arg13: memref<10112x128xf32, #tpu.memory_space<vmem_shared>>, %arg14: memref<!tpu.dma_semaphore, #tpu.memory_space<semaphore_mem>>, %arg15: memref<!tpu.dma_semaphore, #tpu.memory_space<semaphore_mem>>, %arg16: memref<!tpu.dma_semaphore, #tpu.memory_space<semaphore_mem>>, %arg17: memref<!tpu.dma_semaphore, #tpu.memory_space<semaphore_mem>>, %arg18: memref<!tpu.dma_semaphore, #tpu.memory_space<semaphore_mem>>, %arg19: memref<!tpu.dma_semaphore, #tpu.memory_space<semaphore_mem>>) attributes {dimension_semantics = [#tpu.dimension_semantics<core_parallel>, #tpu.dimension_semantics<subcore_parallel>], iteration_bounds = array<i64: 2, 16>, scalar_prefetch = 0 : i64, scratch_operands = 13 : i64, tpu.core_type = #tpu.core_type<sc_vector_subcore>, window_params = [{transform_indices = #map}, {transform_indices = #map1}, {transform_indices = #map1}, {transform_indices = #map}, {transform_indices = #map2}]} {
    %mul3A = arith.constant 2 : i32
    %mul3A_0 = arith.muli %arg1, %mul3A : i32
    %add3A = arith.addi %mul3A_0, %arg0 : i32
    %mul3A_1 = arith.constant 10240 : i32
    %mul3A_2 = arith.muli %add3A, %mul3A_1 : i32
    %mul3A_3 = arith.constant 632 : i32
    %mul3A_4 = arith.muli %arg1, %mul3A_3 : i32
    %mul3A_5 = arith.constant 632 : i32
    %mul3A_6 = arith.muli %arg1, %mul3A_5 : i32
    "tpu.region"() ({
      %run_scoped3A = tpu.sem_alloc : memref<!tpu.dma_semaphore, #tpu.memory_space<semaphore_mem>>
      %dma_start3A_30 = arith.constant 0 : i32
      %dma_start3A_31 = tpu.memref_slice %arg13[%mul3A_6, %dma_start3A_30] : memref<10112x128xf32, #tpu.memory_space<vmem_shared>> -> memref<632x128xf32, #tpu.memory_space<vmem_shared>>
      %dma_start3A_32 = arith.constant 0 : i32
      %dma_start3A_33 = tpu.memref_slice %arg5[%mul3A_4, %dma_start3A_32] : memref<10112x128xf32, #tpu.memory_space<hbm>> -> memref<632x128xf32, #tpu.memory_space<hbm>>
      tpu.enqueue_dma source(%dma_start3A_33 : memref<632x128xf32, #tpu.memory_space<hbm>>) target(%dma_start3A_31 : memref<632x128xf32, #tpu.memory_space<vmem_shared>>) target_semaphore(%run_scoped3A : memref<!tpu.dma_semaphore, #tpu.memory_space<semaphore_mem>>)
      %dma_wait3A = arith.constant 0 : i32
      %dma_wait3A_34 = tpu.memref_slice %arg13[%mul3A_6, %dma_wait3A] : memref<10112x128xf32, #tpu.memory_space<vmem_shared>> -> memref<632x128xf32, #tpu.memory_space<vmem_shared>>
      %dma_wait3A_35 = arith.constant 0 : i32
      %dma_wait3A_36 = tpu.memref_slice %arg5[%mul3A_4, %dma_wait3A_35] : memref<10112x128xf32, #tpu.memory_space<hbm>> -> memref<632x128xf32, #tpu.memory_space<hbm>>
      tpu.wait_dma2 semaphore(%run_scoped3A : memref<!tpu.dma_semaphore, #tpu.memory_space<semaphore_mem>>) src(%dma_wait3A_36 : memref<632x128xf32, #tpu.memory_space<hbm>>) dst(%dma_wait3A_34 : memref<632x128xf32, #tpu.memory_space<vmem_shared>>)
      tpu.yield
    }) : () -> ()
    %barrier3A = arith.constant 0 : index
    tpu.barrier barrier_id(%barrier3A)
    %add3A_7 = arith.constant 0 : i32
    %add3A_8 = arith.addi %mul3A_2, %add3A_7 : i32
    "tpu.region"() ({
      %run_scoped3A = tpu.sem_alloc : memref<!tpu.dma_semaphore, #tpu.memory_space<semaphore_mem>>
      %dma_start3A_30 = tpu.memref_slice %arg3[%add3A_8] : memref<327680xi32, #tpu.memory_space<hbm>> -> memref<128xi32, #tpu.memory_space<hbm>>
      %dma_start3A_31 = tpu.memref_slice %arg3[%add3A_8] : memref<327680xi32, #tpu.memory_space<hbm>> -> memref<128xi32, #tpu.memory_space<hbm>>
      tpu.enqueue_dma source(%dma_start3A_31 : memref<128xi32, #tpu.memory_space<hbm>>) target(%arg7 : memref<128xi32, #tpu.memory_space<vmem>>) target_semaphore(%run_scoped3A : memref<!tpu.dma_semaphore, #tpu.memory_space<semaphore_mem>>)
      %dma_wait3A = tpu.memref_slice %arg3[%add3A_8] : memref<327680xi32, #tpu.memory_space<hbm>> -> memref<128xi32, #tpu.memory_space<hbm>>
      %dma_wait3A_32 = tpu.memref_slice %arg3[%add3A_8] : memref<327680xi32, #tpu.memory_space<hbm>> -> memref<128xi32, #tpu.memory_space<hbm>>
      tpu.wait_dma2 semaphore(%run_scoped3A : memref<!tpu.dma_semaphore, #tpu.memory_space<semaphore_mem>>) src(%dma_wait3A_32 : memref<128xi32, #tpu.memory_space<hbm>>) dst(%arg7 : memref<128xi32, #tpu.memory_space<vmem>>)
      tpu.yield
    }) : () -> ()
    %add3A_9 = arith.constant 0 : i32
    %add3A_10 = arith.addi %mul3A_2, %add3A_9 : i32
    "tpu.region"() ({
      %run_scoped3A = tpu.sem_alloc : memref<!tpu.dma_semaphore, #tpu.memory_space<semaphore_mem>>
      %dma_start3A_30 = tpu.memref_slice %arg4[%add3A_10] : memref<327680xi32, #tpu.memory_space<hbm>> -> memref<128xi32, #tpu.memory_space<hbm>>
      %dma_start3A_31 = tpu.memref_slice %arg4[%add3A_10] : memref<327680xi32, #tpu.memory_space<hbm>> -> memref<128xi32, #tpu.memory_space<hbm>>
      tpu.enqueue_dma source(%dma_start3A_31 : memref<128xi32, #tpu.memory_space<hbm>>) target(%arg9 : memref<128xi32, #tpu.memory_space<vmem>>) target_semaphore(%run_scoped3A : memref<!tpu.dma_semaphore, #tpu.memory_space<semaphore_mem>>)
      %dma_wait3A = tpu.memref_slice %arg4[%add3A_10] : memref<327680xi32, #tpu.memory_space<hbm>> -> memref<128xi32, #tpu.memory_space<hbm>>
      %dma_wait3A_32 = tpu.memref_slice %arg4[%add3A_10] : memref<327680xi32, #tpu.memory_space<hbm>> -> memref<128xi32, #tpu.memory_space<hbm>>
      tpu.wait_dma2 semaphore(%run_scoped3A : memref<!tpu.dma_semaphore, #tpu.memory_space<semaphore_mem>>) src(%dma_wait3A_32 : memref<128xi32, #tpu.memory_space<hbm>>) dst(%arg9 : memref<128xi32, #tpu.memory_space<vmem>>)
      tpu.yield
    }) : () -> ()
    %dma_start3A = arith.constant 0 : i32
    %dma_start3A_11 = arith.constant 0 : i32
    %dma_start3A_12 = tpu.memref_slice %arg2[%dma_start3A, %dma_start3A_11] : memref<10000x128xf32, #tpu.memory_space<hbm>> -> memref<10000x128xf32, #tpu.memory_space<hbm>>
    tpu.enqueue_indirect_dma source(%dma_start3A_12 : memref<10000x128xf32, #tpu.memory_space<hbm>>) target(%arg11 : memref<128x128xf32, #tpu.memory_space<vmem>>) offsets(%arg7 : memref<128xi32, #tpu.memory_space<vmem>>) semaphore(%arg14 : memref<!tpu.dma_semaphore, #tpu.memory_space<semaphore_mem>>)
    %add3A_13 = arith.constant 128 : i32
    %add3A_14 = arith.addi %mul3A_2, %add3A_13 : i32
    "tpu.region"() ({
      %run_scoped3A = tpu.sem_alloc : memref<!tpu.dma_semaphore, #tpu.memory_space<semaphore_mem>>
      %dma_start3A_30 = tpu.memref_slice %arg3[%add3A_14] : memref<327680xi32, #tpu.memory_space<hbm>> -> memref<128xi32, #tpu.memory_space<hbm>>
      %dma_start3A_31 = tpu.memref_slice %arg3[%add3A_14] : memref<327680xi32, #tpu.memory_space<hbm>> -> memref<128xi32, #tpu.memory_space<hbm>>
      tpu.enqueue_dma source(%dma_start3A_31 : memref<128xi32, #tpu.memory_space<hbm>>) target(%arg8 : memref<128xi32, #tpu.memory_space<vmem>>) target_semaphore(%run_scoped3A : memref<!tpu.dma_semaphore, #tpu.memory_space<semaphore_mem>>)
      %dma_wait3A = tpu.memref_slice %arg3[%add3A_14] : memref<327680xi32, #tpu.memory_space<hbm>> -> memref<128xi32, #tpu.memory_space<hbm>>
      %dma_wait3A_32 = tpu.memref_slice %arg3[%add3A_14] : memref<327680xi32, #tpu.memory_space<hbm>> -> memref<128xi32, #tpu.memory_space<hbm>>
      tpu.wait_dma2 semaphore(%run_scoped3A : memref<!tpu.dma_semaphore, #tpu.memory_space<semaphore_mem>>) src(%dma_wait3A_32 : memref<128xi32, #tpu.memory_space<hbm>>) dst(%arg8 : memref<128xi32, #tpu.memory_space<vmem>>)
      tpu.yield
    }) : () -> ()
    %add3A_15 = arith.constant 128 : i32
    %add3A_16 = arith.addi %mul3A_2, %add3A_15 : i32
    "tpu.region"() ({
      %run_scoped3A = tpu.sem_alloc : memref<!tpu.dma_semaphore, #tpu.memory_space<semaphore_mem>>
      %dma_start3A_30 = tpu.memref_slice %arg4[%add3A_16] : memref<327680xi32, #tpu.memory_space<hbm>> -> memref<128xi32, #tpu.memory_space<hbm>>
      %dma_start3A_31 = tpu.memref_slice %arg4[%add3A_16] : memref<327680xi32, #tpu.memory_space<hbm>> -> memref<128xi32, #tpu.memory_space<hbm>>
      tpu.enqueue_dma source(%dma_start3A_31 : memref<128xi32, #tpu.memory_space<hbm>>) target(%arg10 : memref<128xi32, #tpu.memory_space<vmem>>) target_semaphore(%run_scoped3A : memref<!tpu.dma_semaphore, #tpu.memory_space<semaphore_mem>>)
      %dma_wait3A = tpu.memref_slice %arg4[%add3A_16] : memref<327680xi32, #tpu.memory_space<hbm>> -> memref<128xi32, #tpu.memory_space<hbm>>
      %dma_wait3A_32 = tpu.memref_slice %arg4[%add3A_16] : memref<327680xi32, #tpu.memory_space<hbm>> -> memref<128xi32, #tpu.memory_space<hbm>>
      tpu.wait_dma2 semaphore(%run_scoped3A : memref<!tpu.dma_semaphore, #tpu.memory_space<semaphore_mem>>) src(%dma_wait3A_32 : memref<128xi32, #tpu.memory_space<hbm>>) dst(%arg10 : memref<128xi32, #tpu.memory_space<vmem>>)
      tpu.yield
    }) : () -> ()
    %dma_start3A_17 = arith.constant 0 : i32
    %dma_start3A_18 = arith.constant 0 : i32
    %dma_start3A_19 = tpu.memref_slice %arg2[%dma_start3A_17, %dma_start3A_18] : memref<10000x128xf32, #tpu.memory_space<hbm>> -> memref<10000x128xf32, #tpu.memory_space<hbm>>
    tpu.enqueue_indirect_dma source(%dma_start3A_19 : memref<10000x128xf32, #tpu.memory_space<hbm>>) target(%arg12 : memref<128x128xf32, #tpu.memory_space<vmem>>) offsets(%arg8 : memref<128xi32, #tpu.memory_space<vmem>>) semaphore(%arg15 : memref<!tpu.dma_semaphore, #tpu.memory_space<semaphore_mem>>)
    %scan3A = arith.constant 0 : i32
    %scan3A_20 = arith.constant 0 : i32
    %scan3A_21 = arith.constant 40 : i32
    %scan3A_22 = arith.addi %scan3A_20, %scan3A_21 : i32
    %scan3A_23 = arith.constant 1 : i32
    scf.for %scan3A_30 = %scan3A_20 to %scan3A_22 step %scan3A_23  : i32 {
      %mul3A_31 = arith.constant 2 : i32
      %mul3A_32 = arith.muli %mul3A_31, %scan3A_30 : i32
      %add3A_33 = arith.constant 0 : i32
      %add3A_34 = arith.addi %mul3A_32, %add3A_33 : i32
      %dma_wait3A = arith.constant 0 : i32
      %dma_wait3A_35 = arith.constant 0 : i32
      %dma_wait3A_36 = tpu.memref_slice %arg2[%dma_wait3A, %dma_wait3A_35] : memref<10000x128xf32, #tpu.memory_space<hbm>> -> memref<10000x128xf32, #tpu.memory_space<hbm>>
      tpu.wait_indirect_dma semaphore(%arg14 : memref<!tpu.dma_semaphore, #tpu.memory_space<semaphore_mem>>) src(%dma_wait3A_36 : memref<10000x128xf32, #tpu.memory_space<hbm>>) dst(%arg11 : memref<128x128xf32, #tpu.memory_space<vmem>>)
      %add3A_37 = arith.constant 2 : i32
      %add3A_38 = arith.addi %add3A_34, %add3A_37 : i32
      %lt3A = arith.constant 80 : i32
      %lt3A_39 = arith.cmpi slt, %add3A_38, %lt3A : i32
      %convert_element_type3A = arith.extui %lt3A_39 : i1 to i32
      %cond3A = arith.constant 0 : i32
      %cond3A_40 = arith.cmpi ne, %convert_element_type3A, %cond3A : i32
      scf.if %cond3A_40 {
        %add3A_78 = arith.constant 2 : i32
        %add3A_79 = arith.addi %add3A_34, %add3A_78 : i32
        %mul3A_80 = arith.constant 128 : i32
        %mul3A_81 = arith.muli %add3A_79, %mul3A_80 : i32
        %add3A_82 = arith.addi %mul3A_2, %mul3A_81 : i32
        %dma_start3A_83 = tpu.memref_slice %arg3[%add3A_82] : memref<327680xi32, #tpu.memory_space<hbm>> -> memref<128xi32, #tpu.memory_space<hbm>>
        %dma_start3A_84 = tpu.memref_slice %arg3[%add3A_82] : memref<327680xi32, #tpu.memory_space<hbm>> -> memref<128xi32, #tpu.memory_space<hbm>>
        tpu.enqueue_dma source(%dma_start3A_84 : memref<128xi32, #tpu.memory_space<hbm>>) target(%arg7 : memref<128xi32, #tpu.memory_space<vmem>>) target_semaphore(%arg16 : memref<!tpu.dma_semaphore, #tpu.memory_space<semaphore_mem>>)
      } else {
      }
      %ge3A = arith.constant 2 : i32
      %ge3A_41 = arith.cmpi sge, %add3A_34, %ge3A : i32
      %convert_element_type3A_42 = arith.extui %ge3A_41 : i1 to i32
      %cond3A_43 = arith.constant 0 : i32
      %cond3A_44 = arith.cmpi ne, %convert_element_type3A_42, %cond3A_43 : i32
      scf.if %cond3A_44 {
        %mul3A_78 = arith.constant 128 : i32
        %mul3A_79 = arith.muli %add3A_34, %mul3A_78 : i32
        %add3A_80 = arith.addi %mul3A_2, %mul3A_79 : i32
        %dma_wait3A_81 = tpu.memref_slice %arg4[%add3A_80] : memref<327680xi32, #tpu.memory_space<hbm>> -> memref<128xi32, #tpu.memory_space<hbm>>
        %dma_wait3A_82 = tpu.memref_slice %arg4[%add3A_80] : memref<327680xi32, #tpu.memory_space<hbm>> -> memref<128xi32, #tpu.memory_space<hbm>>
        tpu.wait_dma2 semaphore(%arg18 : memref<!tpu.dma_semaphore, #tpu.memory_space<semaphore_mem>>) src(%dma_wait3A_82 : memref<128xi32, #tpu.memory_space<hbm>>) dst(%arg9 : memref<128xi32, #tpu.memory_space<vmem>>)
      } else {
      }
      "tpu.region"() ({
        %run_scoped3A = tpu.sem_alloc : memref<!tpu.dma_semaphore, #tpu.memory_space<semaphore_mem>>
        %dma_start3A_78 = arith.constant 0 : i32
        %dma_start3A_79 = arith.constant 0 : i32
        %dma_start3A_80 = tpu.memref_slice %arg13[%dma_start3A_78, %dma_start3A_79] : memref<10112x128xf32, #tpu.memory_space<vmem_shared>> -> memref<10112x128xf32, #tpu.memory_space<vmem_shared>>
        tpu.enqueue_indirect_dma source(%arg11 : memref<128x128xf32, #tpu.memory_space<vmem>>) target(%dma_start3A_80 : memref<10112x128xf32, #tpu.memory_space<vmem_shared>>) offsets(%arg9 : memref<128xi32, #tpu.memory_space<vmem>>) semaphore(%run_scoped3A : memref<!tpu.dma_semaphore, #tpu.memory_space<semaphore_mem>>) {add = true}
        %dma_wait3A_81 = arith.constant 0 : i32
        %dma_wait3A_82 = arith.constant 0 : i32
        %dma_wait3A_83 = tpu.memref_slice %arg13[%dma_wait3A_81, %dma_wait3A_82] : memref<10112x128xf32, #tpu.memory_space<vmem_shared>> -> memref<10112x128xf32, #tpu.memory_space<vmem_shared>>
        tpu.wait_indirect_dma semaphore(%run_scoped3A : memref<!tpu.dma_semaphore, #tpu.memory_space<semaphore_mem>>) src(%arg11 : memref<128x128xf32, #tpu.memory_space<vmem>>) dst(%dma_wait3A_83 : memref<10112x128xf32, #tpu.memory_space<vmem_shared>>)
        tpu.yield
      }) : () -> ()
      %add3A_45 = arith.constant 2 : i32
      %add3A_46 = arith.addi %add3A_34, %add3A_45 : i32
      %lt3A_47 = arith.constant 80 : i32
      %lt3A_48 = arith.cmpi slt, %add3A_46, %lt3A_47 : i32
      %convert_element_type3A_49 = arith.extui %lt3A_48 : i1 to i32
      %cond3A_50 = arith.constant 0 : i32
      %cond3A_51 = arith.cmpi ne, %convert_element_type3A_49, %cond3A_50 : i32
      scf.if %cond3A_51 {
        %add3A_78 = arith.constant 2 : i32
        %add3A_79 = arith.addi %add3A_34, %add3A_78 : i32
        %mul3A_80 = arith.constant 128 : i32
        %mul3A_81 = arith.muli %add3A_79, %mul3A_80 : i32
        %add3A_82 = arith.addi %mul3A_2, %mul3A_81 : i32
        %dma_start3A_83 = tpu.memref_slice %arg4[%add3A_82] : memref<327680xi32, #tpu.memory_space<hbm>> -> memref<128xi32, #tpu.memory_space<hbm>>
        %dma_start3A_84 = tpu.memref_slice %arg4[%add3A_82] : memref<327680xi32, #tpu.memory_space<hbm>> -> memref<128xi32, #tpu.memory_space<hbm>>
        tpu.enqueue_dma source(%dma_start3A_84 : memref<128xi32, #tpu.memory_space<hbm>>) target(%arg9 : memref<128xi32, #tpu.memory_space<vmem>>) target_semaphore(%arg18 : memref<!tpu.dma_semaphore, #tpu.memory_space<semaphore_mem>>)
        %add3A_85 = arith.constant 2 : i32
        %add3A_86 = arith.addi %add3A_34, %add3A_85 : i32
        %mul3A_87 = arith.constant 128 : i32
        %mul3A_88 = arith.muli %add3A_86, %mul3A_87 : i32
        %add3A_89 = arith.addi %mul3A_2, %mul3A_88 : i32
        %dma_wait3A_90 = tpu.memref_slice %arg3[%add3A_89] : memref<327680xi32, #tpu.memory_space<hbm>> -> memref<128xi32, #tpu.memory_space<hbm>>
        %dma_wait3A_91 = tpu.memref_slice %arg3[%add3A_89] : memref<327680xi32, #tpu.memory_space<hbm>> -> memref<128xi32, #tpu.memory_space<hbm>>
        tpu.wait_dma2 semaphore(%arg16 : memref<!tpu.dma_semaphore, #tpu.memory_space<semaphore_mem>>) src(%dma_wait3A_91 : memref<128xi32, #tpu.memory_space<hbm>>) dst(%arg7 : memref<128xi32, #tpu.memory_space<vmem>>)
        %dma_start3A_92 = arith.constant 0 : i32
        %dma_start3A_93 = arith.constant 0 : i32
        %dma_start3A_94 = tpu.memref_slice %arg2[%dma_start3A_92, %dma_start3A_93] : memref<10000x128xf32, #tpu.memory_space<hbm>> -> memref<10000x128xf32, #tpu.memory_space<hbm>>
        tpu.enqueue_indirect_dma source(%dma_start3A_94 : memref<10000x128xf32, #tpu.memory_space<hbm>>) target(%arg11 : memref<128x128xf32, #tpu.memory_space<vmem>>) offsets(%arg7 : memref<128xi32, #tpu.memory_space<vmem>>) semaphore(%arg14 : memref<!tpu.dma_semaphore, #tpu.memory_space<semaphore_mem>>)
      } else {
      }
      %mul3A_52 = arith.constant 2 : i32
      %mul3A_53 = arith.muli %mul3A_52, %scan3A_30 : i32
      %add3A_54 = arith.constant 1 : i32
      %add3A_55 = arith.addi %mul3A_53, %add3A_54 : i32
      %dma_wait3A_56 = arith.constant 0 : i32
      %dma_wait3A_57 = arith.constant 0 : i32
      %dma_wait3A_58 = tpu.memref_slice %arg2[%dma_wait3A_56, %dma_wait3A_57] : memref<10000x128xf32, #tpu.memory_space<hbm>> -> memref<10000x128xf32, #tpu.memory_space<hbm>>
      tpu.wait_indirect_dma semaphore(%arg15 : memref<!tpu.dma_semaphore, #tpu.memory_space<semaphore_mem>>) src(%dma_wait3A_58 : memref<10000x128xf32, #tpu.memory_space<hbm>>) dst(%arg12 : memref<128x128xf32, #tpu.memory_space<vmem>>)
      %add3A_59 = arith.constant 2 : i32
      %add3A_60 = arith.addi %add3A_55, %add3A_59 : i32
      %lt3A_61 = arith.constant 80 : i32
      %lt3A_62 = arith.cmpi slt, %add3A_60, %lt3A_61 : i32
      %convert_element_type3A_63 = arith.extui %lt3A_62 : i1 to i32
      %cond3A_64 = arith.constant 0 : i32
      %cond3A_65 = arith.cmpi ne, %convert_element_type3A_63, %cond3A_64 : i32
      scf.if %cond3A_65 {
        %add3A_78 = arith.constant 2 : i32
        %add3A_79 = arith.addi %add3A_55, %add3A_78 : i32
        %mul3A_80 = arith.constant 128 : i32
        %mul3A_81 = arith.muli %add3A_79, %mul3A_80 : i32
        %add3A_82 = arith.addi %mul3A_2, %mul3A_81 : i32
        %dma_start3A_83 = tpu.memref_slice %arg3[%add3A_82] : memref<327680xi32, #tpu.memory_space<hbm>> -> memref<128xi32, #tpu.memory_space<hbm>>
        %dma_start3A_84 = tpu.memref_slice %arg3[%add3A_82] : memref<327680xi32, #tpu.memory_space<hbm>> -> memref<128xi32, #tpu.memory_space<hbm>>
        tpu.enqueue_dma source(%dma_start3A_84 : memref<128xi32, #tpu.memory_space<hbm>>) target(%arg8 : memref<128xi32, #tpu.memory_space<vmem>>) target_semaphore(%arg17 : memref<!tpu.dma_semaphore, #tpu.memory_space<semaphore_mem>>)
      } else {
      }
      %ge3A_66 = arith.constant 2 : i32
      %ge3A_67 = arith.cmpi sge, %add3A_55, %ge3A_66 : i32
      %convert_element_type3A_68 = arith.extui %ge3A_67 : i1 to i32
      %cond3A_69 = arith.constant 0 : i32
      %cond3A_70 = arith.cmpi ne, %convert_element_type3A_68, %cond3A_69 : i32
      scf.if %cond3A_70 {
        %mul3A_78 = arith.constant 128 : i32
        %mul3A_79 = arith.muli %add3A_55, %mul3A_78 : i32
        %add3A_80 = arith.addi %mul3A_2, %mul3A_79 : i32
        %dma_wait3A_81 = tpu.memref_slice %arg4[%add3A_80] : memref<327680xi32, #tpu.memory_space<hbm>> -> memref<128xi32, #tpu.memory_space<hbm>>
        %dma_wait3A_82 = tpu.memref_slice %arg4[%add3A_80] : memref<327680xi32, #tpu.memory_space<hbm>> -> memref<128xi32, #tpu.memory_space<hbm>>
        tpu.wait_dma2 semaphore(%arg19 : memref<!tpu.dma_semaphore, #tpu.memory_space<semaphore_mem>>) src(%dma_wait3A_82 : memref<128xi32, #tpu.memory_space<hbm>>) dst(%arg10 : memref<128xi32, #tpu.memory_space<vmem>>)
      } else {
      }
      "tpu.region"() ({
        %run_scoped3A = tpu.sem_alloc : memref<!tpu.dma_semaphore, #tpu.memory_space<semaphore_mem>>
        %dma_start3A_78 = arith.constant 0 : i32
        %dma_start3A_79 = arith.constant 0 : i32
        %dma_start3A_80 = tpu.memref_slice %arg13[%dma_start3A_78, %dma_start3A_79] : memref<10112x128xf32, #tpu.memory_space<vmem_shared>> -> memref<10112x128xf32, #tpu.memory_space<vmem_shared>>
        tpu.enqueue_indirect_dma source(%arg12 : memref<128x128xf32, #tpu.memory_space<vmem>>) target(%dma_start3A_80 : memref<10112x128xf32, #tpu.memory_space<vmem_shared>>) offsets(%arg10 : memref<128xi32, #tpu.memory_space<vmem>>) semaphore(%run_scoped3A : memref<!tpu.dma_semaphore, #tpu.memory_space<semaphore_mem>>) {add = true}
        %dma_wait3A_81 = arith.constant 0 : i32
        %dma_wait3A_82 = arith.constant 0 : i32
        %dma_wait3A_83 = tpu.memref_slice %arg13[%dma_wait3A_81, %dma_wait3A_82] : memref<10112x128xf32, #tpu.memory_space<vmem_shared>> -> memref<10112x128xf32, #tpu.memory_space<vmem_shared>>
        tpu.wait_indirect_dma semaphore(%run_scoped3A : memref<!tpu.dma_semaphore, #tpu.memory_space<semaphore_mem>>) src(%arg12 : memref<128x128xf32, #tpu.memory_space<vmem>>) dst(%dma_wait3A_83 : memref<10112x128xf32, #tpu.memory_space<vmem_shared>>)
        tpu.yield
      }) : () -> ()
      %add3A_71 = arith.constant 2 : i32
      %add3A_72 = arith.addi %add3A_55, %add3A_71 : i32
      %lt3A_73 = arith.constant 80 : i32
      %lt3A_74 = arith.cmpi slt, %add3A_72, %lt3A_73 : i32
      %convert_element_type3A_75 = arith.extui %lt3A_74 : i1 to i32
      %cond3A_76 = arith.constant 0 : i32
      %cond3A_77 = arith.cmpi ne, %convert_element_type3A_75, %cond3A_76 : i32
      scf.if %cond3A_77 {
        %add3A_78 = arith.constant 2 : i32
        %add3A_79 = arith.addi %add3A_55, %add3A_78 : i32
        %mul3A_80 = arith.constant 128 : i32
        %mul3A_81 = arith.muli %add3A_79, %mul3A_80 : i32
        %add3A_82 = arith.addi %mul3A_2, %mul3A_81 : i32
        %dma_start3A_83 = tpu.memref_slice %arg4[%add3A_82] : memref<327680xi32, #tpu.memory_space<hbm>> -> memref<128xi32, #tpu.memory_space<hbm>>
        %dma_start3A_84 = tpu.memref_slice %arg4[%add3A_82] : memref<327680xi32, #tpu.memory_space<hbm>> -> memref<128xi32, #tpu.memory_space<hbm>>
        tpu.enqueue_dma source(%dma_start3A_84 : memref<128xi32, #tpu.memory_space<hbm>>) target(%arg10 : memref<128xi32, #tpu.memory_space<vmem>>) target_semaphore(%arg19 : memref<!tpu.dma_semaphore, #tpu.memory_space<semaphore_mem>>)
        %add3A_85 = arith.constant 2 : i32
        %add3A_86 = arith.addi %add3A_55, %add3A_85 : i32
        %mul3A_87 = arith.constant 128 : i32
        %mul3A_88 = arith.muli %add3A_86, %mul3A_87 : i32
        %add3A_89 = arith.addi %mul3A_2, %mul3A_88 : i32
        %dma_wait3A_90 = tpu.memref_slice %arg3[%add3A_89] : memref<327680xi32, #tpu.memory_space<hbm>> -> memref<128xi32, #tpu.memory_space<hbm>>
        %dma_wait3A_91 = tpu.memref_slice %arg3[%add3A_89] : memref<327680xi32, #tpu.memory_space<hbm>> -> memref<128xi32, #tpu.memory_space<hbm>>
        tpu.wait_dma2 semaphore(%arg17 : memref<!tpu.dma_semaphore, #tpu.memory_space<semaphore_mem>>) src(%dma_wait3A_91 : memref<128xi32, #tpu.memory_space<hbm>>) dst(%arg8 : memref<128xi32, #tpu.memory_space<vmem>>)
        %dma_start3A_92 = arith.constant 0 : i32
        %dma_start3A_93 = arith.constant 0 : i32
        %dma_start3A_94 = tpu.memref_slice %arg2[%dma_start3A_92, %dma_start3A_93] : memref<10000x128xf32, #tpu.memory_space<hbm>> -> memref<10000x128xf32, #tpu.memory_space<hbm>>
        tpu.enqueue_indirect_dma source(%dma_start3A_94 : memref<10000x128xf32, #tpu.memory_space<hbm>>) target(%arg12 : memref<128x128xf32, #tpu.memory_space<vmem>>) offsets(%arg8 : memref<128xi32, #tpu.memory_space<vmem>>) semaphore(%arg15 : memref<!tpu.dma_semaphore, #tpu.memory_space<semaphore_mem>>)
      } else {
      }
    }
    %scan3A_24 = arith.constant 40 : i32
    %barrier3A_25 = arith.constant 0 : index
    tpu.barrier barrier_id(%barrier3A_25)
    %mul3A_26 = arith.constant 632 : i32
    %mul3A_27 = arith.muli %arg1, %mul3A_26 : i32
    %mul3A_28 = arith.constant 632 : i32
    %mul3A_29 = arith.muli %arg1, %mul3A_28 : i32
    "tpu.region"() ({
      %run_scoped3A = tpu.sem_alloc : memref<!tpu.dma_semaphore, #tpu.memory_space<semaphore_mem>>
      %dma_start3A_30 = arith.constant 0 : i32
      %dma_start3A_31 = tpu.memref_slice %arg6[%arg0, %mul3A_29, %dma_start3A_30] : memref<2x10112x128xf32, #tpu.memory_space<hbm>> -> memref<1x632x128xf32, #tpu.memory_space<hbm>>
      %dma_start3A_32 = tpu.memref_squeeze %dma_start3A_31 : memref<1x632x128xf32, #tpu.memory_space<hbm>> -> memref<632x128xf32, #tpu.memory_space<hbm>>
      %dma_start3A_33 = arith.constant 0 : i32
      %dma_start3A_34 = tpu.memref_slice %arg13[%mul3A_27, %dma_start3A_33] : memref<10112x128xf32, #tpu.memory_space<vmem_shared>> -> memref<632x128xf32, #tpu.memory_space<vmem_shared>>
      tpu.enqueue_dma source(%dma_start3A_34 : memref<632x128xf32, #tpu.memory_space<vmem_shared>>) target(%dma_start3A_32 : memref<632x128xf32, #tpu.memory_space<hbm>>) target_semaphore(%run_scoped3A : memref<!tpu.dma_semaphore, #tpu.memory_space<semaphore_mem>>)
      %dma_wait3A = arith.constant 0 : i32
      %dma_wait3A_35 = tpu.memref_slice %arg6[%arg0, %mul3A_29, %dma_wait3A] : memref<2x10112x128xf32, #tpu.memory_space<hbm>> -> memref<1x632x128xf32, #tpu.memory_space<hbm>>
      %dma_wait3A_36 = tpu.memref_squeeze %dma_wait3A_35 : memref<1x632x128xf32, #tpu.memory_space<hbm>> -> memref<632x128xf32, #tpu.memory_space<hbm>>
      %dma_wait3A_37 = arith.constant 0 : i32
      %dma_wait3A_38 = tpu.memref_slice %arg13[%mul3A_27, %dma_wait3A_37] : memref<10112x128xf32, #tpu.memory_space<vmem_shared>> -> memref<632x128xf32, #tpu.memory_space<vmem_shared>>
      tpu.wait_dma2 semaphore(%run_scoped3A : memref<!tpu.dma_semaphore, #tpu.memory_space<semaphore_mem>>) src(%dma_wait3A_38 : memref<632x128xf32, #tpu.memory_space<vmem_shared>>) dst(%dma_wait3A_36 : memref<632x128xf32, #tpu.memory_space<hbm>>)
      tpu.yield
    }) : () -> ()
    return
  }
}

module attributes {stable_mosaic.version = 14 : i64} {
  func.func @_tc1_body(%arg0: i32, %arg1: memref<1000x128xf32, #tpu.memory_space<vmem>>, %arg2: memref<1x1000x128xf32, #tpu.memory_space<vmem>>, %arg3: memref<1x1000x128xf32, #tpu.memory_space<vmem>>, %arg4: memref<1000x1xf32, #tpu.memory_space<vmem>>, %arg5: memref<256x128xf32, #tpu.memory_space<vmem>>, %arg6: memref<1x128xf32, #tpu.memory_space<vmem>>, %arg7: memref<1000x128xf32, #tpu.memory_space<vmem>>) attributes {dimension_semantics = [#tpu.dimension_semantics<arbitrary>], iteration_bounds = array<i64: 10>, scalar_prefetch = 0 : i64, scratch_operands = 0 : i64, tpu.core_type = #tpu.core_type<tc>, window_params = [{transform_indices = @transform_0, window_bounds = array<i64: 1000, 128>}, {transform_indices = @transform_1, window_bounds = array<i64: 1, 1000, 128>}, {transform_indices = @transform_2, window_bounds = array<i64: 1, 1000, 128>}, {transform_indices = @transform_3, window_bounds = array<i64: 1000, 1>}, {pipeline_mode = #tpu.pipeline_mode<synchronous>, transform_indices = @transform_4, window_bounds = array<i64: 256, 128>}, {pipeline_mode = #tpu.pipeline_mode<synchronous>, transform_indices = @transform_5, window_bounds = array<i64: 1, 128>}, {transform_indices = @transform_6, window_bounds = array<i64: 1000, 128>}]} {
    %get3A = arith.constant 0 : index
    %get3A_0 = arith.constant 0 : index
    %get3A_1 = arith.constant 0 : index
    %get3A_2 = vector.load %arg2[%get3A, %get3A_0, %get3A_1] : memref<1x1000x128xf32, #tpu.memory_space<vmem>>, vector<1x1000x128xf32>
    %get3A_3 = vector.shape_cast %get3A_2 : vector<1x1000x128xf32> to vector<1000x128xf32>
    %get3A_4 = arith.constant 0 : index
    %get3A_5 = arith.constant 0 : index
    %get3A_6 = arith.constant 0 : index
    %get3A_7 = vector.load %arg3[%get3A_4, %get3A_5, %get3A_6] : memref<1x1000x128xf32, #tpu.memory_space<vmem>>, vector<1x1000x128xf32>
    %get3A_8 = vector.shape_cast %get3A_7 : vector<1x1000x128xf32> to vector<1000x128xf32>
    %add3A = arith.addf %get3A_3, %get3A_8 : vector<1000x128xf32>
    %get3A_9 = arith.constant 0 : index
    %get3A_10 = arith.constant 0 : index
    %get3A_11 = vector.load %arg4[%get3A_9, %get3A_10] : memref<1000x1xf32, #tpu.memory_space<vmem>>, vector<1000x1xf32>
    %max3A = arith.constant 1.000000e+00 : f32
    %max3A_12 = vector.broadcast %max3A : f32 to vector<1000x1xf32>
    %max3A_13 = arith.maximumf %get3A_11, %max3A_12 : vector<1000x1xf32>
    %get3A_14 = arith.constant 0 : index
    %get3A_15 = arith.constant 0 : index
    %get3A_16 = vector.load %arg1[%get3A_14, %get3A_15] : memref<1000x128xf32, #tpu.memory_space<vmem>>, vector<1000x128xf32>
    %get3A_17 = arith.constant 0 : index
    %get3A_18 = arith.constant 0 : index
    %get3A_19 = vector.load %arg5[%get3A_17, %get3A_18] : memref<256x128xf32, #tpu.memory_space<vmem>>, vector<128x128xf32>
    %dot_general3A = arith.constant dense<0.000000e+00> : vector<1000x128xf32>
    %dot_general3A_20 = tpu.matmul %get3A_16, %get3A_19, %dot_general3A {dimension_numbers = #tpu.dot_dimension_numbers<[1], [0], [0], [1], [0, 0, 1, 1], [], []>, transpose_lhs_hint = false} : vector<1000x128xf32>, vector<128x128xf32>, vector<1000x128xf32> -> vector<1000x128xf32>
    %div3A = vector.broadcast %max3A_13 : vector<1000x1xf32> to vector<1000x128xf32>
    %div3A_21 = arith.divf %add3A, %div3A : vector<1000x128xf32>
    %get3A_22 = arith.constant 128 : index
    %get3A_23 = arith.constant 0 : index
    %get3A_24 = vector.load %arg5[%get3A_22, %get3A_23] : memref<256x128xf32, #tpu.memory_space<vmem>>, vector<128x128xf32>
    %dot_general3A_25 = arith.constant dense<0.000000e+00> : vector<1000x128xf32>
    %dot_general3A_26 = tpu.matmul %div3A_21, %get3A_24, %dot_general3A_25 {dimension_numbers = #tpu.dot_dimension_numbers<[1], [0], [0], [1], [0, 0, 1, 1], [], []>, transpose_lhs_hint = false} : vector<1000x128xf32>, vector<128x128xf32>, vector<1000x128xf32> -> vector<1000x128xf32>
    %add3A_27 = arith.addf %dot_general3A_20, %dot_general3A_26 : vector<1000x128xf32>
    %get3A_28 = arith.constant 0 : index
    %get3A_29 = arith.constant 0 : index
    %get3A_30 = vector.load %arg6[%get3A_28, %get3A_29] : memref<1x128xf32, #tpu.memory_space<vmem>>, vector<1x128xf32>
    %add3A_31 = vector.broadcast %get3A_30 : vector<1x128xf32> to vector<1000x128xf32>
    %add3A_32 = arith.addf %add3A_27, %add3A_31 : vector<1000x128xf32>
    %max3A_33 = arith.constant 0.000000e+00 : f32
    %max3A_34 = vector.broadcast %max3A_33 : f32 to vector<1000x128xf32>
    %max3A_35 = arith.maximumf %add3A_32, %max3A_34 : vector<1000x128xf32>
    %mul3A = arith.mulf %max3A_35, %max3A_35 : vector<1000x128xf32>
    %reduce_sum3A = arith.constant dense<0.000000e+00> : vector<1000xf32>
    %reduce_sum3A_36 = vector.multi_reduction <add>, %mul3A, %reduce_sum3A [1] : vector<1000x128xf32> to vector<1000xf32>
    %broadcast_in_dim3A = vector.shape_cast %reduce_sum3A_36 : vector<1000xf32> to vector<1000x1xf32>
    %sqrt3A = math.sqrt %broadcast_in_dim3A : vector<1000x1xf32>
    %add3A_37 = arith.constant 9.99999996E-13 : f32
    %add3A_38 = vector.broadcast %add3A_37 : f32 to vector<1000x1xf32>
    %add3A_39 = arith.addf %sqrt3A, %add3A_38 : vector<1000x1xf32>
    %div3A_40 = vector.broadcast %add3A_39 : vector<1000x1xf32> to vector<1000x128xf32>
    %div3A_41 = arith.divf %max3A_35, %div3A_40 : vector<1000x128xf32>
    %swap3A = arith.constant 0 : index
    %swap3A_42 = arith.constant 0 : index
    %swap3A_43 = vector.load %arg7[%swap3A, %swap3A_42] : memref<1000x128xf32, #tpu.memory_space<vmem>>, vector<1000x128xf32>
    tpu.vector_store %arg7[%swap3A, %swap3A_42], %div3A_41 {strides = array<i32>} : memref<1000x128xf32, #tpu.memory_space<vmem>>, vector<1000x128xf32>,
    return
  }
  func.func @transform_0(%arg0: i32) -> (i32, i32) {
    %c0_i32 = arith.constant 0 : i32
    %c0_i32_0 = arith.constant 0 : i32
    return %arg0, %c0_i32 : i32, i32
  }
  func.func @transform_1(%arg0: i32) -> (i32, i32, i32) {
    %c0_i32 = arith.constant 0 : i32
    %c0_i32_0 = arith.constant 0 : i32
    %c0_i32_1 = arith.constant 0 : i32
    return %c0_i32, %arg0, %c0_i32_0 : i32, i32, i32
  }
  func.func @transform_2(%arg0: i32) -> (i32, i32, i32) {
    %c1_i32 = arith.constant 1 : i32
    %c0_i32 = arith.constant 0 : i32
    %c0_i32_0 = arith.constant 0 : i32
    return %c1_i32, %arg0, %c0_i32 : i32, i32, i32
  }
  func.func @transform_3(%arg0: i32) -> (i32, i32) {
    %c0_i32 = arith.constant 0 : i32
    %c0_i32_0 = arith.constant 0 : i32
    return %arg0, %c0_i32 : i32, i32
  }
  func.func @transform_4(%arg0: i32) -> (i32, i32) {
    %c0_i32 = arith.constant 0 : i32
    %c0_i32_0 = arith.constant 0 : i32
    %c0_i32_1 = arith.constant 0 : i32
    return %c0_i32, %c0_i32_0 : i32, i32
  }
  func.func @transform_5(%arg0: i32) -> (i32, i32) {
    %c0_i32 = arith.constant 0 : i32
    %c0_i32_0 = arith.constant 0 : i32
    %c0_i32_1 = arith.constant 0 : i32
    return %c0_i32, %c0_i32_0 : i32, i32
  }
  func.func @transform_6(%arg0: i32) -> (i32, i32) {
    %c0_i32 = arith.constant 0 : i32
    %c0_i32_0 = arith.constant 0 : i32
    return %arg0, %c0_i32 : i32, i32
  }
}

module attributes {stable_mosaic.version = 14 : i64} {
  func.func @_tc2_body(%arg0: i32, %arg1: memref<1000x128xf32, #tpu.memory_space<vmem>>, %arg2: memref<1x1000x128xf32, #tpu.memory_space<vmem>>, %arg3: memref<1x1000x128xf32, #tpu.memory_space<vmem>>, %arg4: memref<1000x1xf32, #tpu.memory_space<vmem>>, %arg5: memref<256x128xf32, #tpu.memory_space<vmem>>, %arg6: memref<1x128xf32, #tpu.memory_space<vmem>>, %arg7: memref<128x16xf32, #tpu.memory_space<vmem>>, %arg8: memref<1x16xf32, #tpu.memory_space<vmem>>, %arg9: memref<1000x16xf32, #tpu.memory_space<vmem>>) attributes {dimension_semantics = [#tpu.dimension_semantics<arbitrary>], iteration_bounds = array<i64: 10>, scalar_prefetch = 0 : i64, scratch_operands = 0 : i64, tpu.core_type = #tpu.core_type<tc>, window_params = [{transform_indices = @transform_0, window_bounds = array<i64: 1000, 128>}, {transform_indices = @transform_1, window_bounds = array<i64: 1, 1000, 128>}, {transform_indices = @transform_2, window_bounds = array<i64: 1, 1000, 128>}, {transform_indices = @transform_3, window_bounds = array<i64: 1000, 1>}, {pipeline_mode = #tpu.pipeline_mode<synchronous>, transform_indices = @transform_4, window_bounds = array<i64: 256, 128>}, {pipeline_mode = #tpu.pipeline_mode<synchronous>, transform_indices = @transform_5, window_bounds = array<i64: 1, 128>}, {pipeline_mode = #tpu.pipeline_mode<synchronous>, transform_indices = @transform_6, window_bounds = array<i64: 128, 16>}, {pipeline_mode = #tpu.pipeline_mode<synchronous>, transform_indices = @transform_7, window_bounds = array<i64: 1, 16>}, {transform_indices = @transform_8, window_bounds = array<i64: 1000, 16>}]} {
    %get3A = arith.constant 0 : index
    %get3A_0 = arith.constant 0 : index
    %get3A_1 = vector.load %arg4[%get3A, %get3A_0] : memref<1000x1xf32, #tpu.memory_space<vmem>>, vector<1000x1xf32>
    %max3A = arith.constant 1.000000e+00 : f32
    %max3A_2 = vector.broadcast %max3A : f32 to vector<1000x1xf32>
    %max3A_3 = arith.maximumf %get3A_1, %max3A_2 : vector<1000x1xf32>
    %get3A_4 = arith.constant 0 : index
    %get3A_5 = arith.constant 0 : index
    %get3A_6 = arith.constant 0 : index
    %get3A_7 = vector.load %arg2[%get3A_4, %get3A_5, %get3A_6] : memref<1x1000x128xf32, #tpu.memory_space<vmem>>, vector<1x1000x128xf32>
    %get3A_8 = vector.shape_cast %get3A_7 : vector<1x1000x128xf32> to vector<1000x128xf32>
    %get3A_9 = arith.constant 0 : index
    %get3A_10 = arith.constant 0 : index
    %get3A_11 = arith.constant 0 : index
    %get3A_12 = vector.load %arg3[%get3A_9, %get3A_10, %get3A_11] : memref<1x1000x128xf32, #tpu.memory_space<vmem>>, vector<1x1000x128xf32>
    %get3A_13 = vector.shape_cast %get3A_12 : vector<1x1000x128xf32> to vector<1000x128xf32>
    %add3A = arith.addf %get3A_8, %get3A_13 : vector<1000x128xf32>
    %div3A = vector.broadcast %max3A_3 : vector<1000x1xf32> to vector<1000x128xf32>
    %div3A_14 = arith.divf %add3A, %div3A : vector<1000x128xf32>
    %get3A_15 = arith.constant 0 : index
    %get3A_16 = arith.constant 0 : index
    %get3A_17 = vector.load %arg1[%get3A_15, %get3A_16] : memref<1000x128xf32, #tpu.memory_space<vmem>>, vector<1000x128xf32>
    %get3A_18 = arith.constant 0 : index
    %get3A_19 = arith.constant 0 : index
    %get3A_20 = vector.load %arg5[%get3A_18, %get3A_19] : memref<256x128xf32, #tpu.memory_space<vmem>>, vector<128x128xf32>
    %dot_general3A = arith.constant dense<0.000000e+00> : vector<1000x128xf32>
    %dot_general3A_21 = tpu.matmul %get3A_17, %get3A_20, %dot_general3A {dimension_numbers = #tpu.dot_dimension_numbers<[1], [0], [0], [1], [0, 0, 1, 1], [], []>, transpose_lhs_hint = false} : vector<1000x128xf32>, vector<128x128xf32>, vector<1000x128xf32> -> vector<1000x128xf32>
    %get3A_22 = arith.constant 128 : index
    %get3A_23 = arith.constant 0 : index
    %get3A_24 = vector.load %arg5[%get3A_22, %get3A_23] : memref<256x128xf32, #tpu.memory_space<vmem>>, vector<128x128xf32>
    %dot_general3A_25 = arith.constant dense<0.000000e+00> : vector<1000x128xf32>
    %dot_general3A_26 = tpu.matmul %div3A_14, %get3A_24, %dot_general3A_25 {dimension_numbers = #tpu.dot_dimension_numbers<[1], [0], [0], [1], [0, 0, 1, 1], [], []>, transpose_lhs_hint = false} : vector<1000x128xf32>, vector<128x128xf32>, vector<1000x128xf32> -> vector<1000x128xf32>
    %add3A_27 = arith.addf %dot_general3A_21, %dot_general3A_26 : vector<1000x128xf32>
    %get3A_28 = arith.constant 0 : index
    %get3A_29 = arith.constant 0 : index
    %get3A_30 = vector.load %arg6[%get3A_28, %get3A_29] : memref<1x128xf32, #tpu.memory_space<vmem>>, vector<1x128xf32>
    %add3A_31 = vector.broadcast %get3A_30 : vector<1x128xf32> to vector<1000x128xf32>
    %add3A_32 = arith.addf %add3A_27, %add3A_31 : vector<1000x128xf32>
    %get3A_33 = arith.constant 0 : index
    %get3A_34 = arith.constant 0 : index
    %get3A_35 = vector.load %arg7[%get3A_33, %get3A_34] : memref<128x16xf32, #tpu.memory_space<vmem>>, vector<128x16xf32>
    %dot_general3A_36 = arith.constant dense<0.000000e+00> : vector<1000x16xf32>
    %dot_general3A_37 = tpu.matmul %add3A_32, %get3A_35, %dot_general3A_36 {dimension_numbers = #tpu.dot_dimension_numbers<[1], [0], [0], [1], [0, 0, 1, 1], [], []>, transpose_lhs_hint = false} : vector<1000x128xf32>, vector<128x16xf32>, vector<1000x16xf32> -> vector<1000x16xf32>
    %get3A_38 = arith.constant 0 : index
    %get3A_39 = arith.constant 0 : index
    %get3A_40 = vector.load %arg8[%get3A_38, %get3A_39] : memref<1x16xf32, #tpu.memory_space<vmem>>, vector<1x16xf32>
    %add3A_41 = vector.broadcast %get3A_40 : vector<1x16xf32> to vector<1000x16xf32>
    %add3A_42 = arith.addf %dot_general3A_37, %add3A_41 : vector<1000x16xf32>
    %swap3A = arith.constant 0 : index
    %swap3A_43 = arith.constant 0 : index
    %swap3A_44 = vector.load %arg9[%swap3A, %swap3A_43] : memref<1000x16xf32, #tpu.memory_space<vmem>>, vector<1000x16xf32>
    tpu.vector_store %arg9[%swap3A, %swap3A_43], %add3A_42 {strides = array<i32>} : memref<1000x16xf32, #tpu.memory_space<vmem>>, vector<1000x16xf32>,
    return
  }
  func.func @transform_0(%arg0: i32) -> (i32, i32) {
    %c0_i32 = arith.constant 0 : i32
    %c0_i32_0 = arith.constant 0 : i32
    return %arg0, %c0_i32 : i32, i32
  }
  func.func @transform_1(%arg0: i32) -> (i32, i32, i32) {
    %c0_i32 = arith.constant 0 : i32
    %c0_i32_0 = arith.constant 0 : i32
    %c0_i32_1 = arith.constant 0 : i32
    return %c0_i32, %arg0, %c0_i32_0 : i32, i32, i32
  }
  func.func @transform_2(%arg0: i32) -> (i32, i32, i32) {
    %c1_i32 = arith.constant 1 : i32
    %c0_i32 = arith.constant 0 : i32
    %c0_i32_0 = arith.constant 0 : i32
    return %c1_i32, %arg0, %c0_i32 : i32, i32, i32
  }
  func.func @transform_3(%arg0: i32) -> (i32, i32) {
    %c0_i32 = arith.constant 0 : i32
    %c0_i32_0 = arith.constant 0 : i32
    return %arg0, %c0_i32 : i32, i32
  }
  func.func @transform_4(%arg0: i32) -> (i32, i32) {
    %c0_i32 = arith.constant 0 : i32
    %c0_i32_0 = arith.constant 0 : i32
    %c0_i32_1 = arith.constant 0 : i32
    return %c0_i32, %c0_i32_0 : i32, i32
  }
  func.func @transform_5(%arg0: i32) -> (i32, i32) {
    %c0_i32 = arith.constant 0 : i32
    %c0_i32_0 = arith.constant 0 : i32
    %c0_i32_1 = arith.constant 0 : i32
    return %c0_i32, %c0_i32_0 : i32, i32
  }
  func.func @transform_6(%arg0: i32) -> (i32, i32) {
    %c0_i32 = arith.constant 0 : i32
    %c0_i32_0 = arith.constant 0 : i32
    %c0_i32_1 = arith.constant 0 : i32
    return %c0_i32, %c0_i32_0 : i32, i32
  }
  func.func @transform_7(%arg0: i32) -> (i32, i32) {
    %c0_i32 = arith.constant 0 : i32
    %c0_i32_0 = arith.constant 0 : i32
    %c0_i32_1 = arith.constant 0 : i32
    return %c0_i32, %c0_i32_0 : i32, i32
  }
  func.func @transform_8(%arg0: i32) -> (i32, i32) {
    %c0_i32 = arith.constant 0 : i32
    %c0_i32_0 = arith.constant 0 : i32
    return %arg0, %c0_i32 : i32, i32
  }
}

</mosaic_0001>

<sc_bundles>
// kernel: kernel.6.cloned.1.call-start
scs
__scs_entry_jumppad:
0x0: {  	(pc) =	sbr.rel $0x88, $3  }
0x1: {  	(tag) =	ssettag $0x0;
	lr =	simm.s32 $0x1  }
0x2: {  	[smem:$0x3F99] =	sst lr;
	_ =	strace $0xD0000000  }
0x3: {  	_ = 	snop  }
0x4: {  	_ = 	snop  }
0x5: {  	_ = 	snop  }
0x6: {  	_ = 	snop  }
0x7: {  	_ = 	snop  }
__scs_overlays_trampoline_lowered:
0x8: {  	[smem:$0x3FA8] =	sst s0  }
0x9: {  	[smem:$0x3FA9] =	sst s1  }
0xa: {  	[smem:$0x3FAA] =	sst s2  }
0xb: {  	[smem:$0x3FAB] =	sst s3  }
0xc: {  	[smem:$0x3FAC] =	sst s4  }
0xd: {  	[smem:$0x3FAD] =	sst s5  }
0xe: {  	[smem:$0x3FAE] =	sst s6  }
0xf: {  	[smem:$0x3FAF] =	sst s7  }
0x10: {  	[smem:$0x3FB0] =	sst s8  }
0x11: {  	[smem:$0x3FB1] =	sst s9;
	s0 =	simm.s32 @!p0 $0x0  }
0x12: {  	s1 =	sld [smem:$0x3F97];
	s0 =	simm.s32 @p0 $0x1  }
0x13: {  	[smem:$0x3FB2] =	sst s0;
	s0 =	simm.s32 @!p1 $0x0  }
0x14: {  	s2 =	sld [smem:$0x3F96];
	s0 =	simm.s32 @p1 $0x1  }
0x15: {  	[smem:$0x3FB3] =	sst s0;
	s0 =	simm.s32 @!p2 $0x0  }
0x16: {  	s3 =	sld [smem:$0x3FDB];
	s0 =	simm.s32 @p2 $0x1  }
0x17: {  	s4 =	simm.s32 $0x1BF5;
	[smem:$0x3FB5] =	sst s0  }
0x18: {  	s0 =	sld [smem:$0x3F98];
	_ =	swait.ge [sflag:s4], $0x0  }
0x19: {  	s7 =	sld [smem:$0x3F99]  }
0x1a: {  	s8 =	sadd.s32 $0xFFFFE003, lr  }
0x1b: {  	s9 =	sadd.s32 $0xFFFFFEF7, lr;
	s5 =	simm.s32 $0xFFFFFFFF;
	p2 =	slt.u32 s8, $0xFFFFF086  }
0x1c: {  	p1 =	slt.u32 s9, $0xF7A;
	s5 =	simm.s32 @!p2 $0x0  }
0x1d: {  	s5 =	simm.s32 @p1 $0x1;
	p0 =	seq.s32 s7, s2  }
0x1e: {  	s7 =	smul.u32 @!p0 $0xF7A, s2;
	p2 =	seq.s32 @!p0 s5, $0x0  }
0x1f: {  	s9 =	smul.u32 $0xF7A, s1;
	s8 =	simm.s32 @!p0 $0x1BF5;
	p2 =	por !p2, p0  }
0x20: {  	[sflag:s8] =	ssyncset.s32 @!p0 $0xFFFFF086;
	s6 =	sadd.s32 @!p0 s3, s7;
	s7 =	simm.s32 @!p0 $0x108  }
0x21: {  	s3 =	sadd.s32 s3, s9;
	s6 =	sadd.s32 @!p0 $0x88, s6;
	s7 =	simm.s32 @p2 $0x1082  }
0x22: {  	[simem:s7], [sflag:s8] =	dma.local @!p0 [hbm:s6], $0xF7A  }
0x23: {  	s9 =	sor.u32 $0xD0000000, s2;
	s6 =	simm.s32 $0x108;
	_ =	swait.ge @!p0 [sflag:s8], $0x0  }
0x24: {  	s3 =	sadd.s32 $0x88, s3;
	s6 =	simm.s32 @!p1 $0x1082;
	[sflag:s4] =	ssyncset.s32 $0xFFFFF086  }
0x25: {  	[simem:s6], [sflag:s4] =	dma.local [hbm:s3], $0xF7A  }
0x26: {  	[smem:$0x3F99] =	sst s1;
	(tag) =	ssettag s2;
	_ =	strace s9  }
0x27: {  	s1 =	sld [smem:$0x3FA9]  }
0x28: {  	s2 =	sld [smem:$0x3FAA]  }
0x29: {  	s4 =	sld [smem:$0x3FAC]  }
0x2a: {  	p0 =	seq.s32 s5, $0x0;
	s5 =	sld [smem:$0x3FAD]  }
0x2b: {  	s6 =	sld [smem:$0x3FAE]  }
0x2c: {  	s7 =	sld [smem:$0x3FAF]  }
0x2d: {  	s3 =	simm.s32 $0x108;
	s8 =	sld [smem:$0x3FB0]  }
0x2e: {  	s3 =	simm.s32 @!p0 $0x1082;
	s9 =	sld [smem:$0x3FB1]  }
0x2f: {  	lr =	sadd.s32 s0, s3;
	s0 =	sld [smem:$0x3FA8]  }
0x30: {  	s3 =	sld [smem:$0x3FAB]  }
0x31: {  	[smem:$0x3FB4] =	sst s10  }
0x32: {  	s10 =	sld [smem:$0x3FB2];
	_ =	sdelay $0x3  }
0x33: {  	p0 =	seq.s32 s10, $0x1;
	s10 =	sld [smem:$0x3FB4];
	_ =	sdelay $0x3  }
0x34: {  	[smem:$0x3FB4] =	sst s10  }
0x35: {  	s10 =	sld [smem:$0x3FB3];
	_ =	sdelay $0x3  }
0x36: {  	p1 =	seq.s32 s10, $0x1;
	s10 =	sld [smem:$0x3FB4];
	_ =	sdelay $0x3  }
0x37: {  	[smem:$0x3FB4] =	sst s10  }
0x38: {  	s10 =	sld [smem:$0x3FB5]  }
0x39: {  	_ = 	snop;
	(pc) =	sbr.ind lr, $3  }
0x3a: {  	_ = 	snop  }
0x3b: {  	_ = 	snop  }
0x3c: {  	p2 =	seq.s32 s10, $0x1;
	s10 =	sld [smem:$0x3FB4]  }
0x3d: {  	_ =	shalt  }
0x3e: {  	_ =	shalt  }
0x3f: {  	_ =	shalt  }
0x40: {  	_ =	shalt  }
0x41: {  	_ =	shalt  }
0x42: {  	_ =	shalt  }
0x43: {  	_ =	shalt  }
0x44: {  	_ =	shalt  }
0x45: {  	_ =	shalt  }
0x46: {  	_ =	shalt  }
0x47: {  	_ =	shalt  }
0x48: {  	_ =	shalt  }
0x49: {  	_ =	shalt  }
0x4a: {  	_ =	shalt  }
0x4b: {  	_ =	shalt  }
0x4c: {  	_ =	shalt  }
0x4d: {  	_ =	shalt  }
0x4e: {  	_ =	shalt  }
0x4f: {  	_ =	shalt  }
0x50: {  	_ =	shalt  }
0x51: {  	_ =	shalt  }
0x52: {  	_ =	shalt  }
0x53: {  	_ =	shalt  }
0x54: {  	_ =	shalt  }
0x55: {  	_ =	shalt  }
0x56: {  	_ =	shalt  }
0x57: {  	_ =	shalt  }
0x58: {  	_ =	shalt  }
0x59: {  	_ =	shalt  }
0x5a: {  	_ =	shalt  }
0x5b: {  	_ =	shalt  }
0x5c: {  	_ =	shalt  }
0x5d: {  	_ =	shalt  }
0x5e: {  	_ =	shalt  }
0x5f: {  	_ =	shalt  }
0x60: {  	_ =	shalt  }
0x61: {  	_ =	shalt  }
0x62: {  	_ =	shalt  }
0x63: {  	_ =	shalt  }
0x64: {  	_ =	shalt  }
0x65: {  	_ =	shalt  }
0x66: {  	_ =	shalt  }
0x67: {  	_ =	shalt  }
0x68: {  	_ =	shalt  }
0x69: {  	_ =	shalt  }
0x6a: {  	_ =	shalt  }
0x6b: {  	_ =	shalt  }
0x6c: {  	_ =	shalt  }
0x6d: {  	_ =	shalt  }
0x6e: {  	_ =	shalt  }
0x6f: {  	_ =	shalt  }
0x70: {  	_ =	shalt  }
0x71: {  	_ =	shalt  }
0x72: {  	_ =	shalt  }
0x73: {  	_ =	shalt  }
0x74: {  	_ =	shalt  }
0x75: {  	_ =	shalt  }
0x76: {  	_ =	shalt  }
0x77: {  	_ =	shalt  }
0x78: {  	_ =	shalt  }
0x79: {  	_ =	shalt  }
0x7a: {  	_ =	shalt  }
0x7b: {  	_ =	shalt  }
0x7c: {  	_ =	shalt  }
0x7d: {  	_ =	shalt  }
0x7e: {  	_ =	shalt  }
0x7f: {  	_ =	shalt  }
0x80: {  	_ =	shalt  }
0x81: {  	_ =	shalt  }
0x82: {  	_ =	shalt  }
0x83: {  	_ =	shalt  }
0x84: {  	_ =	shalt  }
0x85: {  	_ =	shalt  }
0x86: {  	_ =	shalt  }
0x87: {  	_ =	shalt  }
.Lfunc_end0:
.L_simem_size_0:
called_computation_lowered:
.L_overlay_start_0:
0x88: {  	s2 =	sld [smem:$0x3FD9]  }
0x89: {  	s3 =	sld [smem:$0x3FFE];
	_ =	sdelay $0x1  }
0x8a: {  	s1 =	srdreg.scid  }
0x8b: {  	s0 =	sand.u32 $0x1, s1  }
0x8c: {  	s17 =	sshll.u32 s0, $0xA;
	s2 =	sadd.s32 s3, s2  }
0x8d: {  	s2 =	sadd.s32 s2, s17  }
0x8e: {  	[smem:$0x3FC0] =	sst s2  }
0x8f: {  	_ = 	snop  }
0x90: {  	s2 =	sld [smem:$0x3FC9]  }
0x91: {  	s18 =	sld [smem:$0x3FD0];
	(tm) =	ssettm $0x1  }
0x92: {  	s4 =	sld [smem:$0x3FFB];
	_ =	sdelay $0x3  }
0x93: {  	_ =	strace s4  }
0x94: {  	s4 =	sld [smem:$0x3FFC];
	_ =	sdelay $0x3  }
0x95: {  	_ =	strace s4  }
0x96: {  	s4 =	sld [smem:$0x3FFD];
	_ =	sdelay $0x3  }
0x97: {  	_ =	strace s4  }
0x98: {  	_ =	strace $0x8FFFFFFF  }
0x99: {  	s19 =	sld [smem:$0x3FDB];
	_ =	sdelay $0x1  }
0x9a: {  	s5 =	simm.s32 $_scs_section_size  }
0x9b: {  	s6 =	simm.s32 $_size__tile_overlayer_lowered;
	s7 =	simm.s32 $_tile_overlayer_lowered  }
0x9c: {  	s22 =	simm.s32 $0x1BFF;
	s21 =	sshll.u32 s7, $0x1;
	s4 =	sadd.s32 s5, s19  }
0x9d: {  	s8 =	simm.s32 $0x0;
	s20 =	sshll.u32 s6, $0x1;
	s6 =	sadd.s32 s21, s4  }
0x9e: {  	[timem:s8], [sflag:s22] =	dma.local [hbm:s6], s20  }
0x9f: {  	_ =	swait.ge [sflag:s22], s20  }
0xa0: {  	s5 =	ssub.s32 $0x0, s20;
	[sflag:s22] =	ssyncset.done $0x0  }
0xa1: {  	[sflag:s22] =	ssyncadd.s32 s5;
	_ =	sdelay $0x1  }
0xa2: {  	s23 =	simm.s32 $0x1B8B  }
0xa3: {  	_ =	swait.ge [sflag:s23], $0x1  }
0xa4: {  	[sflag:s23] =	ssyncset.done $0x0  }
0xa5: {  	s25 =	simm.s32 $0x1B8E;
	s24 =	sld [smem:$0x3FFE];
	[sflag:s23] =	ssyncadd.s32 $0xFFFFFFFF  }
0xa6: {  	s26 =	simm.s32 $execute0_lowered;
	[smem:$0x3FD2] =	sst s25  }
0xa7: {  	s6 =	sshll.u32 s26, $0x1;
	_ =	strace $0x80000046;
	[dreg:$0x1] =	wrdreg $0xFFFFFFFF  }
0xa8: {  	s28 =	simm.s32 $_size_execute0_lowered;
	s4 =	sadd.s32 s4, s6;
	[dreg:$0x0] =	wrdreg $0x0  }
0xa9: {  	s6 =	sshll.u32 s28, $0x1;
	[dreg:$0x2] =	wrdreg s4  }
0xaa: {  	[dreg:$0x3] =	wrdreg s6  }
0xab: {  	[dreg:$0x4] =	wrdreg $0xC0  }
0xac: {  	_ =	task [dreg:s8], $0x5FFFF  }
0xad: {  	[dreg:$0x1] =	wrdreg $0xFFFFFFFF  }
0xae: {  	[dreg:$0x0] =	wrdreg $0x60  }
0xaf: {  	[dreg:$0x2] =	wrdreg s2  }
0xb0: {  	[dreg:$0x3] =	wrdreg s24  }
0xb1: {  	[dreg:$0x4] =	wrdreg s18  }
0xb2: {  	[dreg:$0x5] =	wrdreg $0x82000  }
0xb3: {  	[dreg:$0x6] =	wrdreg $0x9  }
0xb4: {  	_ =	task.clear_ibuf [dreg:s8], $0x7FFFF;
	_ =	strace $0x90000046  }
0xb5: {  	s29 =	simm.s32 $0x9;
	_ =	strace $0x80000048  }
0xb6: {  	_ =	swait.ge [sflag:s29], $0x1  }
0xb7: {  	[sflag:s29] =	ssyncadd.s32 $0xFFFFFFFF  }
0xb8: {  	_ =	strace $0x90000048  }
0xb9: {  	_ =	sfence  }
0xba: {  	s30 =	sld [smem:$0x0];
	_ =	sdelay $0x2  }
0xbb: {  	s31 =	sshll.u32 s1, $0xD;
	s1 =	sshrl.u32 s1, $0x2  }
0xbc: {  	s3 =	sand.u32 $0x4000, s31;
	s1 =	sadd.s32 s1, s30  }
0xbd: {  	s0 =	sor.u32 s3, s0;
	s1 =	sshll.u32 s1, $0x11  }
0xbe: {  	s0 =	sor.u32 s1, s0  }
0xbf: {  	s0 =	sadd.s32 $0x8F2B, s0  }
0xc0: {  	[sflag:s0] =	ssyncadd.remote.s32 $0x1  }
0xc1: {  	_ =	sfence.sel $0xFFFF  }
0xc2: {  	[dreg:$0x0] =	wrdreg $0xFFFFFFFF;
	(pc) =	sbr.abs _section_cstart, $3  }
0xc3: {  	[dreg:$0x1] =	wrdreg $0xFFFFFFFF  }
0xc4: {  	_ =	task.clear_ibuf [dreg:s8], $0x2FFFF;
	_ =	strace $0x9FFFFFFF  }
0xc5: {  	(tm) =	ssettm $0x7FFFFFFF  }
tec
execute0_lowered:
.L_overlay_start_1:
0x0: {  	(tag) =	ssettag $0x1  }
0x1: {  	s1 =	rddreg [dreg:$0x0]  }
0x2: {  	s0 =	rddreg [dreg:$0x1]  }
0x3: {  	s3 =	rddreg [dreg:$0x3];
	s4 =	simm.s32 $0x0  }
0x4: {  	s13 =	stileid.u32;
	s6 =	srdreg.scid;
	s28 =	simm.s32 $0x1  }
0x5: {  	s29 =	simm.s32 $0x2;
	s31 =	simm.s32 $0x4;
	s7 =	smul.u32 $0x13C00, s13  }
0x6: {  	s6 =	sand.u32 $0x1, s6;
	s8 =	sshll.u32 s13, $0x1;
	s15 =	smul.u32 $0x4F000, s13  }
0x7: {  	s10 =	sshrl.u32 s13, $0x2;
	s22 =	sshll.u32 s13, $0x6;
	s13 =	smul.u32 $0x5000, s13  }
0x8: {  	[smem:$0x7FF] =	sst s4;
	s2 =	sadd.s32 $0x1800, s0;
	s9 =	smul.u32 $0x13C000, s6  }
0x9: {  	s5 =	sadd.s32 $0xB800, s0;
	_ =	strace $0x80000047;
	s10 =	smul.u32 $0x14000, s10  }
0xa: {  	s8 =	sor.u32 s6, s8;
	s17 =	ssub.s32 $0x2, s6;
	s6 =	smul.u32 $0x2800, s6  }
0xb: {  	s11 =	sshrl.u32 s7, $0x3;
	s12 =	sshll.u32 s8, $0x7;
	s18 =	sshrl.u32 s17, $0x1  }
0xc: {  	s19 =	smul.u32 $0x2800, s8;
	s8 =	sor.u32 $0x1C07, s22;
	s22 =	simm.s32 $0x100  }
0xd: {  	s11 =	sadd.s32 s11, s0;
	s7 =	sadd.s32 s7, s9;
	s14 =	sand.u32 $0x380, s12  }
0xe: {  	s6 =	sadd.s32 s6, s13;
	s7 =	sshrl.u32 s7, $0x3;
	s9 =	sor.u32 s10, s14  }
0xf: {  	s10 =	sshrl.u32 s15, $0x2;
	s15 =	ssub.s32 s17, s18;
	s21 =	sadd.s32 $0x15800, s11  }
0x10: {  	s23 =	sshrl.u32 s19, $0x3;
	s26 =	sor.u32 $0x100, s6;
	s6 =	sor.u32 $0x180, s6  }
0x11: {  	s14 =	sadd.s32 s7, s0;
	s16 =	sshrl.u32 s9, $0x3;
	s20 =	sadd.s32 s10, s3  }
0x12: {  	[dreg:$0x6] =	wrdreg s21;
	s24 =	sadd.s32 s2, s23;
	s10 =	sadd.s32 s5, s23  }
0x13: {  	s25 =	sor.u32 $0x10, s23;
	s15 =	smax.u32 s15, $0x1;
	s30 =	sshrl.u32 s6, $0x3  }
0x14: {  	s21 =	simm.s32 $0x1BE00;
	s23 =	simm.s32 $0x80;
	[dreg:$0x5] =	wrdreg s20  }
0x15: {  	s0 =	sadd.s32 s16, s0;
	[dreg:$0x7] =	wrdreg s24;
	s11 =	sadd.s32 s2, s25  }
.Ltmp0:
0x16: {  	s12 =	sadd.s32 s5, s25;
	s14 =	sadd.s32 $0x47000, s14;
	(pc) =	sbr.rel .LBB2_1-.Ltmp0, $4  }
0x17: {  	s18 =	sadd.s32 s30, s5;
	s19 =	sadd.s32 s30, s2;
	s20 =	simm.s32 $0x7  }
0x18: {  	s24 =	simm.s32 $0x200;
	s13 =	sadd.s32 $0x3D000, s0;
	s0 =	sshrl.u32 s26, $0x3  }
0x19: {  	s25 =	simm.s32 $0x180;
	s26 =	simm.s32 $0x4200;
	s16 =	sadd.s32 s0, s5  }
0x1a: {  	v0 =	vimm.f32 $1.000000000e+00;
	s17 =	sadd.s32 s0, s2;
	s0 =	simm.s32 $0x5;
	s5 =	simm.s32 $0x0  }
.LBB2_7:
0x1b: {  	s6 =	simm.s32 $0x400  }
0x1c: {  	[hbm4b:s13+s23] =	stream.strided.scatter [tilespmem:s21], [sflag:$0x7], $0x2800, s6, s23, $0x38;
	[tilespmem:$0x1E600] =	vst v63  }
0x1d: {  	_ =	swait.ge [sflag:s20], $0x2800  }
0x1e: {  	s5 =	sadd.s32 $0x1, s5;
	[sflag:s20] =	ssyncset.done $0x0  }
0x1f: {  	p0 =	sne.s32 s5, s15;
	[sflag:s20] =	ssyncadd.s32 $0xFFFFD800  }
.Ltmp1:
0x20: {  	[bflag:$0x0] =	sbarrier.arrive $0xFFFF;
	(pc) =	sbr.rel @!p0 .LBB2_8-.Ltmp1, $4  }
0x21: {  	[hbm:s14], [sflag:s8] =	dma.local [spmem:s2], $0x2780  }
0x22: {  	_ =	swait.ge [sflag:s20], $0x2780  }
0x23: {  	[sflag:s20] =	ssyncset.done $0x0  }
0x24: {  	[sflag:s20] =	ssyncadd.s32 $0xFFFFD880  }
.LBB2_1:
0x25: {  	s2 =	rddreg [dreg:$0x5]  }
0x26: {  	s6 =	rddreg [dreg:$0x6];
	s2 =	sshrl.u32 s2, $0x3  }
0x27: {  	[spmem:s2], [sflag:s8] =	dma.local [hbm:s6], $0x2780  }
0x28: {  	_ =	swait.ge [sflag:s20], $0x2780  }
0x29: {  	[sflag:s20] =	ssyncset.done $0x0  }
0x2a: {  	[sflag:s20] =	ssyncadd.s32 $0xFFFFD880  }
0x2b: {  	s7 =	rddreg [dreg:$0x2]  }
0x2c: {  	[tilespmem:s21], [sflag:$0x7] =	stream.linear.gather [hbm4b:s7+s4], $0x2800, $0x38;
	[tilespmem:$0x1E600] =	vst v63  }
0x2d: {  	_ =	swait.ge [sflag:s20], $0x2800  }
0x2e: {  	[sflag:s20] =	ssyncset.done $0x0  }
0x2f: {  	[sflag:s20] =	ssyncadd.s32 $0xFFFFD800  }
0x30: {  	[bflag:$0x0] =	sbarrier.arrive $0xFFFF  }
0x31: {  	s9 =	rddreg [dreg:$0x7]  }
0x32: {  	[tilespmem:s4], [sflag:$0x7] =	stream.linear.gather [hbm4b:s9+s4], $0x80, $0x38;
	[tilespmem:$0x1E600] =	vst v63  }
0x33: {  	_ =	swait.ge [sflag:s20], $0x80  }
0x34: {  	[sflag:s20] =	ssyncset.done $0x0  }
0x35: {  	[sflag:s20] =	ssyncadd.s32 $0xFFFFFF80  }
0x36: {  	[tilespmem:s22], [sflag:$0x7] =	stream.linear.gather [hbm4b:s10+s4], $0x80, $0x38;
	[tilespmem:$0x1E600] =	vst v63  }
0x37: {  	_ =	swait.ge [sflag:s20], $0x80  }
0x38: {  	[sflag:s20] =	ssyncset.done $0x0  }
0x39: {  	[sflag:s20] =	ssyncadd.s32 $0xFFFFFF80  }
0x3a: {  	[tilespmem:s24], [sflag:$0x1] =	stream.indirect.gather [hbm4b:s1+s23], $0x80, s4, s23, $0xb8;
	[tilespmem:$0x1E600] =	vst v63  }
0x3b: {  	_ = 	snop  }
0x3c: {  	[tilespmem:s23], [sflag:$0x7] =	stream.linear.gather [hbm4b:s11+s4], $0x80, $0x38;
	[tilespmem:$0x1E600] =	vst v63  }
0x3d: {  	_ =	swait.ge [sflag:s20], $0x80  }
0x3e: {  	[sflag:s20] =	ssyncset.done $0x0  }
0x3f: {  	[sflag:s20] =	ssyncadd.s32 $0xFFFFFF80  }
0x40: {  	[tilespmem:s25], [sflag:$0x7] =	stream.linear.gather [hbm4b:s12+s4], $0x80, $0x38;
	[tilespmem:$0x1E600] =	vst v63  }
0x41: {  	_ =	swait.ge [sflag:s20], $0x80  }
0x42: {  	[sflag:s20] =	ssyncset.done $0x0  }
0x43: {  	s30 =	simm.s32 $0x0;
	[sflag:s20] =	ssyncadd.s32 $0xFFFFFF80  }
0x44: {  	[tilespmem:s26], [sflag:$0x2] =	stream.indirect.gather [hbm4b:s1+s23], $0x80, s23, s23, $0xb8;
	[tilespmem:$0x1E600] =	vst v63  }
.LBB2_2:
0x45: {  	p0 =	seq.s32 s30, $0x4E0  }
0x46: {  	p1 =	seq.s32 @!p0 s30, $0x0  }
0x47: {  	p1 =	por p0, !p1  }
.Ltmp2:
0x48: {  	_ = 	snop;
	(pc) =	sbr.rel @!p1 .LBB2_3-.Ltmp2, $4  }
0x49: {  	_ =	swait.ge [sflag:s28], $0x4000  }
0x4a: {  	[sflag:s28] =	ssyncset.done $0x0  }
0x4b: {  	s7 =	sadd.s32 @!p0 s30, s17;
	s6 =	simm.s32 @!p0 $0x0;
	[sflag:s28] =	ssyncadd.s32 $0xFFFFC000  }
0x4c: {  	[tilespmem:s6], [sflag:$0x3] =	stream.linear.gather @!p0 [hbm4b:s7+s6], $0x80, $0x38;
	[tilespmem:$0x1E600] =	vst v63  }
.Ltmp3:
0x4d: {  	(pc) =	sbr.rel .LBB2_5-.Ltmp3, $4  }
0x4e: {  	_ = 	snop  }
0x4f: {  	_ =	swait.ge [sflag:s0], $0x80  }
0x50: {  	[sflag:s0] =	ssyncset.done $0x0  }
0x51: {  	p1 =	por $0x0, $0x0;
	[sflag:s0] =	ssyncadd.s32 $0xFFFFFF80  }
.LBB2_3:
0x52: {  	p1 =	por @!p0 $0x1, $0x1  }
.LBB2_5:
0x53: {  	v1 =	vld [tilespmem:$0x100];
	_ =	sdelay $0x7  }
0x54: {  	[tilespmem:v1+s21+$0x0] =	vst.idx.add.f32.msk $0xffff, v0  }
0x55: {  	v1 =	vld [tilespmem:$0x110];
	_ =	sdelay $0x7  }
0x56: {  	[tilespmem:v1+s21+$0x0] =	vst.idx.add.f32.msk $0xffff, v0  }
0x57: {  	v1 =	vld [tilespmem:$0x120];
	_ =	sdelay $0x7  }
0x58: {  	[tilespmem:v1+s21+$0x0] =	vst.idx.add.f32.msk $0xffff, v0  }
0x59: {  	v1 =	vld [tilespmem:$0x130];
	_ =	sdelay $0x7  }
0x5a: {  	[tilespmem:v1+s21+$0x0] =	vst.idx.add.f32.msk $0xffff, v0  }
0x5b: {  	v1 =	vld [tilespmem:$0x140];
	_ =	sdelay $0x7  }
0x5c: {  	[tilespmem:v1+s21+$0x0] =	vst.idx.add.f32.msk $0xffff, v0  }
0x5d: {  	v1 =	vld [tilespmem:$0x150];
	_ =	sdelay $0x7  }
0x5e: {  	[tilespmem:v1+s21+$0x0] =	vst.idx.add.f32.msk $0xffff, v0  }
0x5f: {  	v1 =	vld [tilespmem:$0x160];
	_ =	sdelay $0x7  }
0x60: {  	[tilespmem:v1+s21+$0x0] =	vst.idx.add.f32.msk $0xffff, v0  }
0x61: {  	v1 =	vld [tilespmem:$0x170];
	_ =	sdelay $0x7  }
0x62: {  	[tilespmem:v1+s21+$0x0] =	vst.idx.add.f32.msk $0xffff, v0  }
0x63: {  	[spmem:s3] =	stream.indirect.scatter.add.f32 [tilespmem:s24], [sflag:$0x7], $0x80, s22, s23, $0xb8;
	[tilespmem:$0x1E600] =	vst v63  }
0x64: {  	_ =	swait.ge [sflag:s20], $0x4000  }
0x65: {  	[sflag:s20] =	ssyncset.done $0x0  }
0x66: {  	s7 =	sadd.s32 @!p0 s30, s16;
	s9 =	simm.s32 @!p0 $0x100;
	[sflag:s20] =	ssyncadd.s32 $0xFFFFC000  }
0x67: {  	[tilespmem:s9], [sflag:$0x5] =	stream.linear.gather @!p0 [hbm4b:s7+s6], $0x80, $0x38;
	[tilespmem:$0x1E600] =	vst v63  }
0x68: {  	s7 =	simm.s32 @!p0 $0x3  }
0x69: {  	_ =	swait.ge @!p0 [sflag:s7], $0x80  }
0x6a: {  	[sflag:s7] =	ssyncset.done @!p0 $0x0  }
0x6b: {  	s9 =	simm.s32 @!p0 $0x200;
	[sflag:s7] =	ssyncadd.s32 @!p0 $0xFFFFFF80;
	s7 =	simm.s32 @!p0 $0x80  }
0x6c: {  	[tilespmem:s9], [sflag:$0x1] =	stream.indirect.gather @!p0 [hbm4b:s1+s7], $0x80, s6, s7, $0xb8;
	[tilespmem:$0x1E600] =	vst v63  }
0x6d: {  	_ =	swait.ge [sflag:s29], $0x4000  }
0x6e: {  	[sflag:s29] =	ssyncset.done $0x0  }
0x6f: {  	s9 =	sadd.s32 @!p0 s30, s19;
	[sflag:s29] =	ssyncadd.s32 $0xFFFFC000  }
0x70: {  	[tilespmem:s7], [sflag:$0x4] =	stream.linear.gather @!p0 [hbm4b:s9+s6], $0x80, $0x38;
	[tilespmem:$0x1E600] =	vst v63  }
0x71: {  	s6 =	simm.s32 @!p1 $0x6  }
0x72: {  	_ =	swait.ge @!p1 [sflag:s6], $0x80  }
0x73: {  	[sflag:s6] =	ssyncset.done @!p1 $0x0  }
0x74: {  	[sflag:s6] =	ssyncadd.s32 @!p1 $0xFFFFFF80  }
0x75: {  	v1 =	vld [tilespmem:$0x180];
	_ =	sdelay $0x7  }
0x76: {  	[tilespmem:v1+s21+$0x0] =	vst.idx.add.f32.msk $0xffff, v0  }
0x77: {  	v1 =	vld [tilespmem:$0x190];
	_ =	sdelay $0x7  }
0x78: {  	[tilespmem:v1+s21+$0x0] =	vst.idx.add.f32.msk $0xffff, v0  }
0x79: {  	v1 =	vld [tilespmem:$0x1A0];
	_ =	sdelay $0x7  }
0x7a: {  	[tilespmem:v1+s21+$0x0] =	vst.idx.add.f32.msk $0xffff, v0  }
0x7b: {  	v1 =	vld [tilespmem:$0x1B0];
	_ =	sdelay $0x7  }
0x7c: {  	[tilespmem:v1+s21+$0x0] =	vst.idx.add.f32.msk $0xffff, v0  }
0x7d: {  	v1 =	vld [tilespmem:$0x1C0];
	_ =	sdelay $0x7  }
0x7e: {  	[tilespmem:v1+s21+$0x0] =	vst.idx.add.f32.msk $0xffff, v0  }
0x7f: {  	v1 =	vld [tilespmem:$0x1D0];
	_ =	sdelay $0x7  }
0x80: {  	[tilespmem:v1+s21+$0x0] =	vst.idx.add.f32.msk $0xffff, v0  }
0x81: {  	v1 =	vld [tilespmem:$0x1E0];
	_ =	sdelay $0x7  }
0x82: {  	[tilespmem:v1+s21+$0x0] =	vst.idx.add.f32.msk $0xffff, v0  }
0x83: {  	v1 =	vld [tilespmem:$0x1F0];
	_ =	sdelay $0x7  }
.Ltmp4:
0x84: {  	[tilespmem:v1+s21+$0x0] =	vst.idx.add.f32.msk $0xffff, v0;
	(pc) =	sbr.rel @p0 .LBB2_7-.Ltmp4, $4  }
0x85: {  	[spmem:s3] =	stream.indirect.scatter.add.f32 [tilespmem:s26], [sflag:$0x7], $0x80, s25, s23, $0xb8;
	[tilespmem:$0x1E600] =	vst v63  }
0x86: {  	_ =	swait.ge [sflag:s20], $0x4000  }
0x87: {  	[sflag:s20] =	ssyncset.done $0x0  }
0x88: {  	[sflag:s20] =	ssyncadd.s32 $0xFFFFC000  }
0x89: {  	s6 =	sadd.s32 s30, s18  }
0x8a: {  	[tilespmem:s25], [sflag:$0x6] =	stream.linear.gather [hbm4b:s6+s4], $0x80, $0x38;
	[tilespmem:$0x1E600] =	vst v63  }
.Ltmp5:
0x8b: {  	_ = 	snop;
	(pc) =	sbr.rel .LBB2_2-.Ltmp5, $4  }
0x8c: {  	_ =	swait.ge [sflag:s31], $0x80  }
0x8d: {  	[sflag:s31] =	ssyncset.done $0x0  }
0x8e: {  	s30 =	sadd.s32 $0x20, s30;
	[sflag:s31] =	ssyncadd.s32 $0xFFFFFF80  }
0x8f: {  	[tilespmem:s26], [sflag:$0x2] =	stream.indirect.gather [hbm4b:s1+s23], $0x80, s23, s23, $0xb8;
	[tilespmem:$0x1E600] =	vst v63  }
.LBB2_8:
0x90: {  	_ =	sfence.sel $0x180000  }
0x91: {  	[bflag:$0x0] =	sbarrier.arrive $0xFFFF  }
0x92: {  	_ =	strace $0x90000047  }
0x93: {  	s0 =	stileid.u32;
	[bflag:$0x2] =	sbarrier.arrive $0xFFFF  }
0x94: {  	p0 =	sne.s32 s0, $0x0;
	s0 =	rddreg [dreg:$0x4]  }
0x95: {  	s0 =	sadd.s32 @!p0 $0x100000, s0  }
0x96: {  	[sflag:s0] =	ssyncadd.tile.s32 @!p0 $0x1;
	_ =	shalt  }
.Lfunc_end2:
_tile_overlayer_lowered:
.L_overlay_start_2:
0x97: {  	(tag) =	ssettag $0x2  }
0x98: {  	s0 =	rddreg [dreg:$0x0];
	s2 =	stileid.u32  }
0x99: {  	s1 =	rddreg [dreg:$0x1];
	p0 =	sne.s32 s2, $0x0  }
0x9a: {  	s3 =	rddreg [dreg:$0x2];
	[bflag:$0x3] =	sbarrier.arrive $0xFFFF;
	s2 =	simm.s32 @!p0 $0x1C07  }
0x9b: {  	[timem:s3], [sflag:s2] =	dma.local @!p0 [hbm:s0], s1  }
0x9c: {  	s0 =	simm.s32 @!p0 $0x7  }
0x9d: {  	_ =	swait.ge @!p0 [sflag:s0], s1  }
0x9e: {  	s1 =	ssub.s32 @!p0 $0x0, s1;
	[sflag:s0] =	ssyncset.done @!p0 $0x0  }
0x9f: {  	[sflag:s0] =	ssyncadd.s32 @!p0 s1  }
0xa0: {  	[bflag:$0x3] =	sbarrier.arrive $0xFFFF  }
0xa1: {  	_ =	shalt  }

// kernel: kernel.9.cloned.1.call-start
scs
__scs_entry_jumppad:
0x0: {  	(pc) =	sbr.rel $0x88, $3  }
0x1: {  	(tag) =	ssettag $0x0;
	lr =	simm.s32 $0x1  }
0x2: {  	[smem:$0x3F99] =	sst lr;
	_ =	strace $0xD0000000  }
0x3: {  	_ = 	snop  }
0x4: {  	_ = 	snop  }
0x5: {  	_ = 	snop  }
0x6: {  	_ = 	snop  }
0x7: {  	_ = 	snop  }
__scs_overlays_trampoline_lowered:
0x8: {  	[smem:$0x3FA8] =	sst s0  }
0x9: {  	[smem:$0x3FA9] =	sst s1  }
0xa: {  	[smem:$0x3FAA] =	sst s2  }
0xb: {  	[smem:$0x3FAB] =	sst s3  }
0xc: {  	[smem:$0x3FAC] =	sst s4  }
0xd: {  	[smem:$0x3FAD] =	sst s5  }
0xe: {  	[smem:$0x3FAE] =	sst s6  }
0xf: {  	[smem:$0x3FAF] =	sst s7  }
0x10: {  	[smem:$0x3FB0] =	sst s8  }
0x11: {  	[smem:$0x3FB1] =	sst s9;
	s0 =	simm.s32 @!p0 $0x0  }
0x12: {  	s1 =	sld [smem:$0x3F97];
	s0 =	simm.s32 @p0 $0x1  }
0x13: {  	[smem:$0x3FB2] =	sst s0;
	s0 =	simm.s32 @!p1 $0x0  }
0x14: {  	s2 =	sld [smem:$0x3F96];
	s0 =	simm.s32 @p1 $0x1  }
0x15: {  	[smem:$0x3FB3] =	sst s0;
	s0 =	simm.s32 @!p2 $0x0  }
0x16: {  	s3 =	sld [smem:$0x3FDB];
	s0 =	simm.s32 @p2 $0x1  }
0x17: {  	s4 =	simm.s32 $0x1BF5;
	[smem:$0x3FB5] =	sst s0  }
0x18: {  	s0 =	sld [smem:$0x3F98];
	_ =	swait.ge [sflag:s4], $0x0  }
0x19: {  	s7 =	sld [smem:$0x3F99]  }
0x1a: {  	s8 =	sadd.s32 $0xFFFFE003, lr  }
0x1b: {  	s9 =	sadd.s32 $0xFFFFFEF7, lr;
	s5 =	simm.s32 $0xFFFFFFFF;
	p2 =	slt.u32 s8, $0xFFFFF086  }
0x1c: {  	p1 =	slt.u32 s9, $0xF7A;
	s5 =	simm.s32 @!p2 $0x0  }
0x1d: {  	s5 =	simm.s32 @p1 $0x1;
	p0 =	seq.s32 s7, s2  }
0x1e: {  	s7 =	smul.u32 @!p0 $0xF7A, s2;
	p2 =	seq.s32 @!p0 s5, $0x0  }
0x1f: {  	s9 =	smul.u32 $0xF7A, s1;
	s8 =	simm.s32 @!p0 $0x1BF5;
	p2 =	por !p2, p0  }
0x20: {  	[sflag:s8] =	ssyncset.s32 @!p0 $0xFFFFF086;
	s6 =	sadd.s32 @!p0 s3, s7;
	s7 =	simm.s32 @!p0 $0x108  }
0x21: {  	s3 =	sadd.s32 s3, s9;
	s6 =	sadd.s32 @!p0 $0x88, s6;
	s7 =	simm.s32 @p2 $0x1082  }
0x22: {  	[simem:s7], [sflag:s8] =	dma.local @!p0 [hbm:s6], $0xF7A  }
0x23: {  	s9 =	sor.u32 $0xD0000000, s2;
	s6 =	simm.s32 $0x108;
	_ =	swait.ge @!p0 [sflag:s8], $0x0  }
0x24: {  	s3 =	sadd.s32 $0x88, s3;
	s6 =	simm.s32 @!p1 $0x1082;
	[sflag:s4] =	ssyncset.s32 $0xFFFFF086  }
0x25: {  	[simem:s6], [sflag:s4] =	dma.local [hbm:s3], $0xF7A  }
0x26: {  	[smem:$0x3F99] =	sst s1;
	(tag) =	ssettag s2;
	_ =	strace s9  }
0x27: {  	s1 =	sld [smem:$0x3FA9]  }
0x28: {  	s2 =	sld [smem:$0x3FAA]  }
0x29: {  	s4 =	sld [smem:$0x3FAC]  }
0x2a: {  	p0 =	seq.s32 s5, $0x0;
	s5 =	sld [smem:$0x3FAD]  }
0x2b: {  	s6 =	sld [smem:$0x3FAE]  }
0x2c: {  	s7 =	sld [smem:$0x3FAF]  }
0x2d: {  	s3 =	simm.s32 $0x108;
	s8 =	sld [smem:$0x3FB0]  }
0x2e: {  	s3 =	simm.s32 @!p0 $0x1082;
	s9 =	sld [smem:$0x3FB1]  }
0x2f: {  	lr =	sadd.s32 s0, s3;
	s0 =	sld [smem:$0x3FA8]  }
0x30: {  	s3 =	sld [smem:$0x3FAB]  }
0x31: {  	[smem:$0x3FB4] =	sst s10  }
0x32: {  	s10 =	sld [smem:$0x3FB2];
	_ =	sdelay $0x3  }
0x33: {  	p0 =	seq.s32 s10, $0x1;
	s10 =	sld [smem:$0x3FB4];
	_ =	sdelay $0x3  }
0x34: {  	[smem:$0x3FB4] =	sst s10  }
0x35: {  	s10 =	sld [smem:$0x3FB3];
	_ =	sdelay $0x3  }
0x36: {  	p1 =	seq.s32 s10, $0x1;
	s10 =	sld [smem:$0x3FB4];
	_ =	sdelay $0x3  }
0x37: {  	[smem:$0x3FB4] =	sst s10  }
0x38: {  	s10 =	sld [smem:$0x3FB5]  }
0x39: {  	_ = 	snop;
	(pc) =	sbr.ind lr, $3  }
0x3a: {  	_ = 	snop  }
0x3b: {  	_ = 	snop  }
0x3c: {  	p2 =	seq.s32 s10, $0x1;
	s10 =	sld [smem:$0x3FB4]  }
0x3d: {  	_ =	shalt  }
0x3e: {  	_ =	shalt  }
0x3f: {  	_ =	shalt  }
0x40: {  	_ =	shalt  }
0x41: {  	_ =	shalt  }
0x42: {  	_ =	shalt  }
0x43: {  	_ =	shalt  }
0x44: {  	_ =	shalt  }
0x45: {  	_ =	shalt  }
0x46: {  	_ =	shalt  }
0x47: {  	_ =	shalt  }
0x48: {  	_ =	shalt  }
0x49: {  	_ =	shalt  }
0x4a: {  	_ =	shalt  }
0x4b: {  	_ =	shalt  }
0x4c: {  	_ =	shalt  }
0x4d: {  	_ =	shalt  }
0x4e: {  	_ =	shalt  }
0x4f: {  	_ =	shalt  }
0x50: {  	_ =	shalt  }
0x51: {  	_ =	shalt  }
0x52: {  	_ =	shalt  }
0x53: {  	_ =	shalt  }
0x54: {  	_ =	shalt  }
0x55: {  	_ =	shalt  }
0x56: {  	_ =	shalt  }
0x57: {  	_ =	shalt  }
0x58: {  	_ =	shalt  }
0x59: {  	_ =	shalt  }
0x5a: {  	_ =	shalt  }
0x5b: {  	_ =	shalt  }
0x5c: {  	_ =	shalt  }
0x5d: {  	_ =	shalt  }
0x5e: {  	_ =	shalt  }
0x5f: {  	_ =	shalt  }
0x60: {  	_ =	shalt  }
0x61: {  	_ =	shalt  }
0x62: {  	_ =	shalt  }
0x63: {  	_ =	shalt  }
0x64: {  	_ =	shalt  }
0x65: {  	_ =	shalt  }
0x66: {  	_ =	shalt  }
0x67: {  	_ =	shalt  }
0x68: {  	_ =	shalt  }
0x69: {  	_ =	shalt  }
0x6a: {  	_ =	shalt  }
0x6b: {  	_ =	shalt  }
0x6c: {  	_ =	shalt  }
0x6d: {  	_ =	shalt  }
0x6e: {  	_ =	shalt  }
0x6f: {  	_ =	shalt  }
0x70: {  	_ =	shalt  }
0x71: {  	_ =	shalt  }
0x72: {  	_ =	shalt  }
0x73: {  	_ =	shalt  }
0x74: {  	_ =	shalt  }
0x75: {  	_ =	shalt  }
0x76: {  	_ =	shalt  }
0x77: {  	_ =	shalt  }
0x78: {  	_ =	shalt  }
0x79: {  	_ =	shalt  }
0x7a: {  	_ =	shalt  }
0x7b: {  	_ =	shalt  }
0x7c: {  	_ =	shalt  }
0x7d: {  	_ =	shalt  }
0x7e: {  	_ =	shalt  }
0x7f: {  	_ =	shalt  }
0x80: {  	_ =	shalt  }
0x81: {  	_ =	shalt  }
0x82: {  	_ =	shalt  }
0x83: {  	_ =	shalt  }
0x84: {  	_ =	shalt  }
0x85: {  	_ =	shalt  }
0x86: {  	_ =	shalt  }
0x87: {  	_ =	shalt  }
.Lfunc_end0:
.L_simem_size_0:
called_computation.1_lowered:
.L_overlay_start_0:
0x88: {  	s2 =	sld [smem:$0x3FD9]  }
0x89: {  	s3 =	sld [smem:$0x3FFE];
	_ =	sdelay $0x1  }
0x8a: {  	s1 =	srdreg.scid  }
0x8b: {  	s0 =	sand.u32 $0x1, s1  }
0x8c: {  	s16 =	sshll.u32 s0, $0xA;
	s2 =	sadd.s32 s3, s2  }
0x8d: {  	s2 =	sadd.s32 s2, s16  }
0x8e: {  	[smem:$0x3FC0] =	sst s2  }
0x8f: {  	_ = 	snop  }
0x90: {  	(tm) =	ssettm $0x1  }
0x91: {  	s17 =	sld [smem:$0x3FFB];
	_ =	sdelay $0x3  }
0x92: {  	_ =	strace s17  }
0x93: {  	s2 =	sld [smem:$0x3FFC];
	_ =	sdelay $0x3  }
0x94: {  	_ =	strace s2  }
0x95: {  	s2 =	sld [smem:$0x3FFD];
	_ =	sdelay $0x3  }
0x96: {  	_ =	strace s2  }
0x97: {  	_ =	strace $0x8FFFFFFF  }
0x98: {  	s18 =	sld [smem:$0x3FDB];
	_ =	sdelay $0x1  }
0x99: {  	s19 =	simm.s32 $_scs_section_size  }
0x9a: {  	s4 =	simm.s32 $_size__tile_overlayer_lowered;
	s5 =	simm.s32 $_tile_overlayer_lowered  }
0x9b: {  	s22 =	simm.s32 $0x1BFF;
	s21 =	sshll.u32 s5, $0x1;
	s2 =	sadd.s32 s19, s18  }
0x9c: {  	s6 =	simm.s32 $0x0;
	s20 =	sshll.u32 s4, $0x1;
	s4 =	sadd.s32 s21, s2  }
0x9d: {  	[timem:s6], [sflag:s22] =	dma.local [hbm:s4], s20  }
0x9e: {  	_ =	swait.ge [sflag:s22], s20  }
0x9f: {  	s3 =	ssub.s32 $0x0, s20;
	[sflag:s22] =	ssyncset.done $0x0  }
0xa0: {  	[sflag:s22] =	ssyncadd.s32 s3;
	_ =	sdelay $0x1  }
0xa1: {  	s23 =	simm.s32 $0x1B8B  }
0xa2: {  	_ =	swait.ge [sflag:s23], $0x1  }
0xa3: {  	[sflag:s23] =	ssyncset.done $0x0  }
0xa4: {  	s25 =	simm.s32 $0x1B8E;
	s24 =	sld [smem:$0x3FFE];
	[sflag:s23] =	ssyncadd.s32 $0xFFFFFFFF  }
0xa5: {  	s26 =	simm.s32 $execute0_lowered;
	[smem:$0x3FD2] =	sst s25  }
0xa6: {  	s4 =	sshll.u32 s26, $0x1;
	_ =	strace $0x80000049;
	[dreg:$0x1] =	wrdreg $0xFFFFFFFF  }
0xa7: {  	s28 =	simm.s32 $_size_execute0_lowered;
	s2 =	sadd.s32 s2, s4;
	[dreg:$0x0] =	wrdreg $0x0  }
0xa8: {  	s4 =	sshll.u32 s28, $0x1;
	[dreg:$0x2] =	wrdreg s2  }
0xa9: {  	[dreg:$0x3] =	wrdreg s4  }
0xaa: {  	[dreg:$0x4] =	wrdreg $0xC0  }
0xab: {  	_ =	task [dreg:s6], $0x5FFFF  }
0xac: {  	[dreg:$0x1] =	wrdreg $0xFFFFFFFF  }
0xad: {  	[dreg:$0x0] =	wrdreg $0x60  }
0xae: {  	[dreg:$0x2] =	wrdreg s24  }
0xaf: {  	[dreg:$0x3] =	wrdreg $0x82000  }
0xb0: {  	[dreg:$0x4] =	wrdreg $0x9  }
0xb1: {  	_ =	task.clear_ibuf [dreg:s6], $0x5FFFF;
	_ =	strace $0x90000049  }
0xb2: {  	s29 =	simm.s32 $0x9;
	_ =	strace $0x8000004B  }
0xb3: {  	_ =	swait.ge [sflag:s29], $0x1  }
0xb4: {  	[sflag:s29] =	ssyncadd.s32 $0xFFFFFFFF  }
0xb5: {  	_ =	strace $0x9000004B  }
0xb6: {  	_ =	sfence  }
0xb7: {  	s30 =	sld [smem:$0x0];
	_ =	sdelay $0x2  }
0xb8: {  	s31 =	sshll.u32 s1, $0xD;
	s1 =	sshrl.u32 s1, $0x2  }
0xb9: {  	s3 =	sand.u32 $0x4000, s31;
	s1 =	sadd.s32 s1, s30  }
0xba: {  	s0 =	sor.u32 s3, s0;
	s1 =	sshll.u32 s1, $0x11  }
0xbb: {  	s0 =	sor.u32 s1, s0  }
0xbc: {  	s0 =	sadd.s32 $0x8F2B, s0  }
0xbd: {  	[sflag:s0] =	ssyncadd.remote.s32 $0x1  }
0xbe: {  	_ =	sfence.sel $0xFFFF  }
0xbf: {  	[dreg:$0x0] =	wrdreg $0xFFFFFFFF;
	(pc) =	sbr.abs _section_cstart, $3  }
0xc0: {  	[dreg:$0x1] =	wrdreg $0xFFFFFFFF  }
0xc1: {  	_ =	task.clear_ibuf [dreg:s6], $0x2FFFF;
	_ =	strace $0x9FFFFFFF  }
0xc2: {  	(tm) =	ssettm $0x7FFFFFFF  }
0xc3: {  	_ =	shalt  }
tec
execute0_lowered:
.L_overlay_start_1:
0x0: {  	(tag) =	ssettag $0x1  }
0x1: {  	s5 =	rddreg [dreg:$0x0]  }
0x2: {  	s2 =	rddreg [dreg:$0x1]  }
0x3: {  	s3 =	simm.s32 $0x0;
	s0 =	stileid.u32;
	s4 =	srdreg.scid  }
0x4: {  	s20 =	simm.s32 $0x80;
	s21 =	simm.s32 $0x200;
	s28 =	simm.s32 $0x5  }
0x5: {  	s29 =	simm.s32 $0x0;
	[smem:$0x7FF] =	sst s3;
	s6 =	smul.u32 $0x13C00, s0  }
0x6: {  	s7 =	sand.u32 $0x1, s4;
	s4 =	sadd.s32 $0x3D000, s5;
	s16 =	sadd.s32 $0x1800, s5  }
0x7: {  	s15 =	sadd.s32 $0xB800, s5;
	s22 =	sshll.u32 s0, $0x1;
	s10 =	smul.u32 $0x4F000, s0  }
0x8: {  	s26 =	smul.u32 $0x5000, s0;
	s30 =	sshll.u32 s0, $0x6;
	_ =	strace $0x8000004A  }
0x9: {  	s8 =	smul.u32 $0x13C000, s7;
	s23 =	ssub.s32 $0x2, s7;
	s24 =	sor.u32 s7, s22  }
0xa: {  	s14 =	smul.u32 $0x2800, s7;
	s22 =	simm.s32 $0x180;
	s9 =	sshrl.u32 s6, $0x3  }
0xb: {  	s25 =	sshrl.u32 s23, $0x1;
	s10 =	sshrl.u32 s10, $0x2;
	s9 =	sadd.s32 s9, s5  }
0xc: {  	s6 =	sadd.s32 s6, s8;
	s12 =	ssub.s32 s23, s25;
	s17 =	sadd.s32 s10, s2  }
0xd: {  	s14 =	sadd.s32 s14, s26;
	s23 =	simm.s32 $0x4200;
	s25 =	simm.s32 $0x2  }
0xe: {  	s26 =	simm.s32 $0x4;
	s6 =	sshrl.u32 s6, $0x3;
	s31 =	sor.u32 $0x100, s14  }
0xf: {  	s14 =	sor.u32 $0x180, s14;
	s12 =	smax.u32 s12, $0x1;
	s17 =	sshrl.u32 s17, $0x3  }
0x10: {  	s11 =	sadd.s32 s6, s5;
	s6 =	smul.u32 $0x2800, s24;
	s5 =	sadd.s32 $0x15800, s9  }
0x11: {  	s18 =	sshrl.u32 s31, $0x3;
	s19 =	sshrl.u32 s14, $0x3;
	s24 =	simm.s32 $0x1  }
.Ltmp0:
0x12: {  	s11 =	sadd.s32 $0x64200, s11;
	s13 =	sshrl.u32 s6, $0x3;
	(pc) =	sbr.rel .LBB2_1-.Ltmp0, $4  }
0x13: {  	s7 =	sadd.s32 s16, s13;
	s8 =	sadd.s32 s15, s13;
	s13 =	sor.u32 $0x10, s13  }
0x14: {  	s14 =	sadd.s32 s18, s16;
	s6 =	sor.u32 $0x1C07, s30;
	s9 =	sadd.s32 s16, s13  }
0x15: {  	s10 =	sadd.s32 s15, s13;
	s13 =	sadd.s32 s18, s15;
	s15 =	sadd.s32 s19, s15  }
0x16: {  	s16 =	sadd.s32 s19, s16;
	s18 =	simm.s32 $0x7;
	s19 =	simm.s32 $0x100  }
.LBB2_7:
0x17: {  	s29 =	sadd.s32 $0x1, s29  }
0x18: {  	p0 =	sne.s32 s29, s12  }
.Ltmp1:
0x19: {  	[bflag:$0x0] =	sbarrier.arrive $0xFFFF;
	(pc) =	sbr.rel @!p0 .LBB2_8-.Ltmp1, $4  }
0x1a: {  	[hbm:s11], [sflag:s6] =	dma.local [spmem:s17], $0x2780  }
0x1b: {  	_ =	swait.ge [sflag:s18], $0x2780  }
0x1c: {  	[sflag:s18] =	ssyncset.done $0x0  }
0x1d: {  	[sflag:s18] =	ssyncadd.s32 $0xFFFFD880  }
.LBB2_1:
0x1e: {  	[spmem:s17], [sflag:s6] =	dma.local [hbm:s5], $0x2780  }
0x1f: {  	_ =	swait.ge [sflag:s18], $0x2780  }
0x20: {  	[sflag:s18] =	ssyncset.done $0x0  }
0x21: {  	[sflag:s18] =	ssyncadd.s32 $0xFFFFD880  }
0x22: {  	[bflag:$0x0] =	sbarrier.arrive $0xFFFF  }
0x23: {  	[tilespmem:s3], [sflag:$0x7] =	stream.linear.gather [hbm4b:s7+s3], $0x80, $0x38;
	[tilespmem:$0x1BE00] =	vst v63  }
0x24: {  	_ =	swait.ge [sflag:s18], $0x80  }
0x25: {  	[sflag:s18] =	ssyncset.done $0x0  }
0x26: {  	[sflag:s18] =	ssyncadd.s32 $0xFFFFFF80  }
0x27: {  	[tilespmem:s19], [sflag:$0x7] =	stream.linear.gather [hbm4b:s8+s3], $0x80, $0x38;
	[tilespmem:$0x1BE00] =	vst v63  }
0x28: {  	_ =	swait.ge [sflag:s18], $0x80  }
0x29: {  	[sflag:s18] =	ssyncset.done $0x0  }
0x2a: {  	[sflag:s18] =	ssyncadd.s32 $0xFFFFFF80  }
0x2b: {  	[tilespmem:s21], [sflag:$0x1] =	stream.indirect.gather [hbm4b:s4+s20], $0x80, s3, s20, $0xb8;
	[tilespmem:$0x1BE00] =	vst v63  }
0x2c: {  	_ = 	snop  }
0x2d: {  	[tilespmem:s20], [sflag:$0x7] =	stream.linear.gather [hbm4b:s9+s3], $0x80, $0x38;
	[tilespmem:$0x1BE00] =	vst v63  }
0x2e: {  	_ =	swait.ge [sflag:s18], $0x80  }
0x2f: {  	[sflag:s18] =	ssyncset.done $0x0  }
0x30: {  	[sflag:s18] =	ssyncadd.s32 $0xFFFFFF80  }
0x31: {  	[tilespmem:s22], [sflag:$0x7] =	stream.linear.gather [hbm4b:s10+s3], $0x80, $0x38;
	[tilespmem:$0x1BE00] =	vst v63  }
0x32: {  	_ =	swait.ge [sflag:s18], $0x80  }
0x33: {  	[sflag:s18] =	ssyncset.done $0x0  }
0x34: {  	s30 =	simm.s32 $0x0;
	[sflag:s18] =	ssyncadd.s32 $0xFFFFFF80  }
0x35: {  	[tilespmem:s23], [sflag:$0x2] =	stream.indirect.gather [hbm4b:s4+s20], $0x80, s20, s20, $0xb8;
	[tilespmem:$0x1BE00] =	vst v63  }
.LBB2_2:
0x36: {  	p0 =	seq.s32 s30, $0x4E0  }
0x37: {  	p1 =	seq.s32 @!p0 s30, $0x0  }
0x38: {  	p1 =	por p0, !p1  }
.Ltmp2:
0x39: {  	_ = 	snop;
	(pc) =	sbr.rel @!p1 .LBB2_3-.Ltmp2, $4  }
0x3a: {  	_ =	swait.ge [sflag:s24], $0x4000  }
0x3b: {  	[sflag:s24] =	ssyncset.done $0x0  }
0x3c: {  	s0 =	sadd.s32 @!p0 s30, s14;
	s31 =	simm.s32 @!p0 $0x0;
	[sflag:s24] =	ssyncadd.s32 $0xFFFFC000  }
0x3d: {  	[tilespmem:s31], [sflag:$0x3] =	stream.linear.gather @!p0 [hbm4b:s0+s31], $0x80, $0x38;
	[tilespmem:$0x1BE00] =	vst v63  }
.Ltmp3:
0x3e: {  	(pc) =	sbr.rel .LBB2_5-.Ltmp3, $4  }
0x3f: {  	_ = 	snop  }
0x40: {  	_ =	swait.ge [sflag:s28], $0x80  }
0x41: {  	[sflag:s28] =	ssyncset.done $0x0  }
0x42: {  	p1 =	por $0x0, $0x0;
	[sflag:s28] =	ssyncadd.s32 $0xFFFFFF80  }
.LBB2_3:
0x43: {  	p1 =	por @!p0 $0x1, $0x1  }
.LBB2_5:
0x44: {  	[spmem:s2] =	stream.indirect.scatter.add.f32 [tilespmem:s21], [sflag:$0x7], $0x80, s19, s20, $0xb8;
	[tilespmem:$0x1BE00] =	vst v63  }
0x45: {  	_ =	swait.ge [sflag:s18], $0x4000  }
0x46: {  	[sflag:s18] =	ssyncset.done $0x0  }
0x47: {  	s0 =	sadd.s32 @!p0 s30, s13;
	s1 =	simm.s32 @!p0 $0x100;
	[sflag:s18] =	ssyncadd.s32 $0xFFFFC000  }
0x48: {  	[tilespmem:s1], [sflag:$0x5] =	stream.linear.gather @!p0 [hbm4b:s0+s31], $0x80, $0x38;
	[tilespmem:$0x1BE00] =	vst v63  }
0x49: {  	s0 =	simm.s32 @!p0 $0x3  }
0x4a: {  	_ =	swait.ge @!p0 [sflag:s0], $0x80  }
0x4b: {  	[sflag:s0] =	ssyncset.done @!p0 $0x0  }
0x4c: {  	s1 =	simm.s32 @!p0 $0x200;
	[sflag:s0] =	ssyncadd.s32 @!p0 $0xFFFFFF80;
	s0 =	simm.s32 @!p0 $0x80  }
0x4d: {  	[tilespmem:s1], [sflag:$0x1] =	stream.indirect.gather @!p0 [hbm4b:s4+s0], $0x80, s31, s0, $0xb8;
	[tilespmem:$0x1BE00] =	vst v63  }
0x4e: {  	_ =	swait.ge [sflag:s25], $0x4000  }
0x4f: {  	[sflag:s25] =	ssyncset.done $0x0  }
0x50: {  	s1 =	sadd.s32 @!p0 s30, s16;
	[sflag:s25] =	ssyncadd.s32 $0xFFFFC000  }
0x51: {  	[tilespmem:s0], [sflag:$0x4] =	stream.linear.gather @!p0 [hbm4b:s1+s31], $0x80, $0x38;
	[tilespmem:$0x1BE00] =	vst v63  }
0x52: {  	s0 =	simm.s32 @!p1 $0x6  }
0x53: {  	_ =	swait.ge @!p1 [sflag:s0], $0x80  }
0x54: {  	[sflag:s0] =	ssyncset.done @!p1 $0x0  }
.Ltmp4:
0x55: {  	[sflag:s0] =	ssyncadd.s32 @!p1 $0xFFFFFF80;
	(pc) =	sbr.rel @p0 .LBB2_7-.Ltmp4, $4  }
0x56: {  	[spmem:s2] =	stream.indirect.scatter.add.f32 [tilespmem:s23], [sflag:$0x7], $0x80, s22, s20, $0xb8;
	[tilespmem:$0x1BE00] =	vst v63  }
0x57: {  	_ =	swait.ge [sflag:s18], $0x4000  }
0x58: {  	[sflag:s18] =	ssyncset.done $0x0  }
0x59: {  	[sflag:s18] =	ssyncadd.s32 $0xFFFFC000  }
0x5a: {  	s0 =	sadd.s32 s30, s15  }
0x5b: {  	[tilespmem:s22], [sflag:$0x6] =	stream.linear.gather [hbm4b:s0+s3], $0x80, $0x38;
	[tilespmem:$0x1BE00] =	vst v63  }
.Ltmp5:
0x5c: {  	_ = 	snop;
	(pc) =	sbr.rel .LBB2_2-.Ltmp5, $4  }
0x5d: {  	_ =	swait.ge [sflag:s26], $0x80  }
0x5e: {  	[sflag:s26] =	ssyncset.done $0x0  }
0x5f: {  	s30 =	sadd.s32 $0x20, s30;
	[sflag:s26] =	ssyncadd.s32 $0xFFFFFF80  }
0x60: {  	[tilespmem:s23], [sflag:$0x2] =	stream.indirect.gather [hbm4b:s4+s20], $0x80, s20, s20, $0xb8;
	[tilespmem:$0x1BE00] =	vst v63  }
.LBB2_8:
0x61: {  	_ =	sfence.sel $0x180000  }
0x62: {  	[bflag:$0x0] =	sbarrier.arrive $0xFFFF  }
0x63: {  	_ =	strace $0x9000004A  }
0x64: {  	s0 =	stileid.u32;
	[bflag:$0x2] =	sbarrier.arrive $0xFFFF  }
0x65: {  	p0 =	sne.s32 s0, $0x0;
	s0 =	rddreg [dreg:$0x2]  }
0x66: {  	s0 =	sadd.s32 @!p0 $0x100000, s0  }
0x67: {  	[sflag:s0] =	ssyncadd.tile.s32 @!p0 $0x1;
	_ =	shalt  }
.Lfunc_end2:
_tile_overlayer_lowered:
.L_overlay_start_2:
0x68: {  	(tag) =	ssettag $0x2  }
0x69: {  	s0 =	rddreg [dreg:$0x0];
	s2 =	stileid.u32  }
0x6a: {  	s1 =	rddreg [dreg:$0x1];
	p0 =	sne.s32 s2, $0x0  }
0x6b: {  	s3 =	rddreg [dreg:$0x2];
	[bflag:$0x3] =	sbarrier.arrive $0xFFFF;
	s2 =	simm.s32 @!p0 $0x1C07  }
0x6c: {  	[timem:s3], [sflag:s2] =	dma.local @!p0 [hbm:s0], s1  }
0x6d: {  	s0 =	simm.s32 @!p0 $0x7  }
0x6e: {  	_ =	swait.ge @!p0 [sflag:s0], s1  }
0x6f: {  	s1 =	ssub.s32 @!p0 $0x0, s1;
	[sflag:s0] =	ssyncset.done @!p0 $0x0  }
0x70: {  	[sflag:s0] =	ssyncadd.s32 @!p0 s1  }
0x71: {  	[bflag:$0x3] =	sbarrier.arrive $0xFFFF  }
0x72: {  	_ =	shalt  }

</sc_bundles>
